<compile_context>
chip_gen: v7x
topology: tpu7x:2x2x1
jax: 0.10.2.dev20260603
libtpu: 0.0.44.dev20260713+nightly
codegen_flags: <defaults>
</compile_context>

<pallas_src>
import jax
import jax.numpy as jnp
from jax import lax
from jax.experimental import pallas as pl
from jax.experimental.pallas import tpu as pltpu
from jax.experimental.pallas import tpu_sc as plsc

_WINDOW = 128
_UNROLL = 16


def kernel(sentence, table):
    batch, seq = sentence.shape
    vocab, dim = table.shape
    n = batch * seq
    idx = sentence.reshape(n).astype(jnp.int32)

    info = plsc.get_sparse_core_info()
    nw = info.num_cores * info.num_subcores
    per_w = n // nw
    steps = per_w // _WINDOW
    assert steps % 2 == 0

    mesh = plsc.VectorSubcoreMesh(core_axis_name="core", subcore_axis_name="subcore")

    @pl.kernel(
        out_type=jax.ShapeDtypeStruct((n, dim), table.dtype),
        mesh=mesh,
        scratch_types=[
            pltpu.VMEM((per_w,), jnp.int32),
            pltpu.VMEM((_WINDOW, dim), jnp.float32),
            pltpu.VMEM((_WINDOW, dim), jnp.float32),
            pltpu.SemaphoreType.DMA,
            pltpu.SemaphoreType.DMA,
        ],
    )
    def gather_kernel(tab_hbm, idx_hbm, out_hbm, idx_v, rows_a, rows_b, sem_a, sem_b):
        wid = lax.axis_index("subcore") * info.num_cores + lax.axis_index("core")
        base = wid * per_w
        pltpu.sync_copy(idx_hbm.at[pl.ds(base, per_w)], idx_v)

        def issue(w, rows, sem):
            @pl.loop(0, _WINDOW, step=_UNROLL)
            def _(j):
                v = idx_v[pl.ds(w * _WINDOW + j, _UNROLL)]
                for k in range(_UNROLL):
                    pltpu.async_copy(tab_hbm.at[v[k]], rows.at[j + k], sem)

        def drain_writeback(w, rows, sem):
            pltpu.make_async_copy(tab_hbm.at[pl.ds(0, _WINDOW)], rows, sem).wait()
            pltpu.sync_copy(rows, out_hbm.at[pl.ds(base + w * _WINDOW, _WINDOW)])

        @pl.loop(0, steps, step=2)
        def _(w):
            issue(w, rows_a, sem_a)
            issue(w + 1, rows_b, sem_b)
            drain_writeback(w, rows_a, sem_a)
            drain_writeback(w + 1, rows_b, sem_b)

    out = gather_kernel(table, idx)
    return out.reshape(batch, seq, dim)

# --- scband reference (transcript-rebuilt; emitter-appended) ---
"""Pipeline reference for scband-fast-text-71176198029616 (READ-ONLY COPY).

The authoritative reference and input builder live on the scoring server;
editing this copy changes nothing except your own understanding.
"""

import jax, jax.numpy as jnp
import numpy as np

VOCAB = 100000
EMBED_DIM = 300
BATCH = 4096
SEQ = 50


def setup_inputs(seed: int = 0) -> dict:
    key = jax.random.key(seed)
    k_idx, k_tab = jax.random.split(key)
    # token indices standing in for the word->id lookup of KeyedVectors
    sentence = jax.random.randint(k_idx, (BATCH, SEQ), 0, VOCAB)
    # pretrained fasttext embedding table (word2vec format, 300-dim vectors)
    table = jax.random.normal(k_tab, (VOCAB, EMBED_DIM), dtype=jnp.float32)
    return {"sentence": sentence, "table": table}


def reference(sentence, table):
    # FastText.forward: for each word in sentence, fetch its vector from the
    # pretrained table (OOV words would map to zeros; indices here are in-vocab),
    # then stack and cast to float32. Pure gather -> SparseCore embedding lookup.
    features = jnp.take(table, sentence, axis=0)
    return features.astype(jnp.float32)

if __name__ == "__main__":
    import jax
    _d = setup_inputs()
    print(jax.jit(kernel)(*tuple(_d.values())))

</pallas_src>

<mosaic_0001>
#map = affine_map<(d0, d1) -> (0, 0)>
#map1 = affine_map<(d0, d1) -> (0)>
module attributes {stable_mosaic.version = 14 : i64} {
  func.func @gather_kernel(%arg0: i32, %arg1: i32, %arg2: memref<100000x300xf32, #tpu.memory_space<hbm>>, %arg3: memref<204800xi32, #tpu.memory_space<hbm>>, %arg4: memref<204800x300xf32, #tpu.memory_space<hbm>>, %arg5: memref<6400xi32, #tpu.memory_space<vmem>>, %arg6: memref<128x300xf32, #tpu.memory_space<vmem>>, %arg7: memref<128x300xf32, #tpu.memory_space<vmem>>, %arg8: memref<!tpu.dma_semaphore, #tpu.memory_space<semaphore_mem>>, %arg9: memref<!tpu.dma_semaphore, #tpu.memory_space<semaphore_mem>>) attributes {dimension_semantics = [#tpu.dimension_semantics<core_parallel>, #tpu.dimension_semantics<subcore_parallel>], iteration_bounds = array<i64: 2, 16>, scalar_prefetch = 0 : i64, scratch_operands = 5 : i64, tpu.core_type = #tpu.core_type<sc_vector_subcore>, window_params = [{transform_indices = #map}, {transform_indices = #map1}, {transform_indices = #map}]} {
    %mul3A = arith.constant 2 : i32
    %mul3A_0 = arith.muli %arg1, %mul3A : i32
    %add3A = arith.addi %mul3A_0, %arg0 : i32
    %mul3A_1 = arith.constant 6400 : i32
    %mul3A_2 = arith.muli %add3A, %mul3A_1 : i32
    "tpu.region"() ({
      %run_scoped3A = tpu.sem_alloc : memref<!tpu.dma_semaphore, #tpu.memory_space<semaphore_mem>>
      %dma_start3A = tpu.memref_slice %arg3[%mul3A_2] : memref<204800xi32, #tpu.memory_space<hbm>> -> memref<6400xi32, #tpu.memory_space<hbm>>
      %dma_start3A_7 = tpu.memref_slice %arg3[%mul3A_2] : memref<204800xi32, #tpu.memory_space<hbm>> -> memref<6400xi32, #tpu.memory_space<hbm>>
      tpu.enqueue_dma source(%dma_start3A_7 : memref<6400xi32, #tpu.memory_space<hbm>>) target(%arg5 : memref<6400xi32, #tpu.memory_space<vmem>>) target_semaphore(%run_scoped3A : memref<!tpu.dma_semaphore, #tpu.memory_space<semaphore_mem>>)
      %dma_wait3A = tpu.memref_slice %arg3[%mul3A_2] : memref<204800xi32, #tpu.memory_space<hbm>> -> memref<6400xi32, #tpu.memory_space<hbm>>
      %dma_wait3A_8 = tpu.memref_slice %arg3[%mul3A_2] : memref<204800xi32, #tpu.memory_space<hbm>> -> memref<6400xi32, #tpu.memory_space<hbm>>
      tpu.wait_dma2 semaphore(%run_scoped3A : memref<!tpu.dma_semaphore, #tpu.memory_space<semaphore_mem>>) src(%dma_wait3A_8 : memref<6400xi32, #tpu.memory_space<hbm>>) dst(%arg5 : memref<6400xi32, #tpu.memory_space<vmem>>)
      tpu.yield
    }) : () -> ()
    %scan3A = arith.constant 0 : i32
    %scan3A_3 = arith.constant 25 : i32
    %scan3A_4 = arith.addi %scan3A, %scan3A_3 : i32
    %scan3A_5 = arith.constant 1 : i32
    scf.for %scan3A_7 = %scan3A to %scan3A_4 step %scan3A_5  : i32 {
      %mul3A_8 = arith.constant 2 : i32
      %mul3A_9 = arith.muli %scan3A_7, %mul3A_8 : i32
      %add3A_10 = arith.constant 0 : i32
      %add3A_11 = arith.addi %add3A_10, %mul3A_9 : i32
      %scan3A_12 = arith.constant 0 : i32
      %scan3A_13 = arith.constant 8 : i32
      %scan3A_14 = arith.addi %scan3A_12, %scan3A_13 : i32
      %scan3A_15 = arith.constant 1 : i32
      scf.for %scan3A_43 = %scan3A_12 to %scan3A_14 step %scan3A_15  : i32 {
        %mul3A_44 = arith.constant 16 : i32
        %mul3A_45 = arith.muli %scan3A_43, %mul3A_44 : i32
        %add3A_46 = arith.constant 0 : i32
        %add3A_47 = arith.addi %add3A_46, %mul3A_45 : i32
        %mul3A_48 = arith.constant 128 : i32
        %mul3A_49 = arith.muli %add3A_11, %mul3A_48 : i32
        %add3A_50 = arith.addi %mul3A_49, %add3A_47 : i32
        %get3A = arith.index_cast %add3A_50 : i32 to index
        %get3A_51 = tpu.vector_load %arg5[%get3A] {strides = array<i32>} : memref<6400xi32, #tpu.memory_space<vmem>>, vector<16xi32>,
        %get3A_52 = vector.shape_cast %get3A_51 : vector<16xi32> to vector<16xi32>
        %slice3A = vector.extract_strided_slice %get3A_52 {offsets = [0], sizes = [1], strides = [1]} : vector<16xi32> to vector<1xi32>
        %squeeze3A = vector.extract %slice3A[0] : i32 from vector<1xi32>
        %add3A_53 = arith.constant 0 : i32
        %add3A_54 = arith.addi %add3A_47, %add3A_53 : i32
        %dma_start3A = arith.constant 0 : i32
        %dma_start3A_55 = tpu.memref_slice %arg6[%add3A_54, %dma_start3A] : memref<128x300xf32, #tpu.memory_space<vmem>> -> memref<1x300xf32, #tpu.memory_space<vmem>>
        %dma_start3A_56 = tpu.memref_squeeze %dma_start3A_55 : memref<1x300xf32, #tpu.memory_space<vmem>> -> memref<300xf32, #tpu.memory_space<vmem>>
        %dma_start3A_57 = arith.constant 0 : i32
        %dma_start3A_58 = tpu.memref_slice %arg2[%squeeze3A, %dma_start3A_57] : memref<100000x300xf32, #tpu.memory_space<hbm>> -> memref<1x300xf32, #tpu.memory_space<hbm>>
        %dma_start3A_59 = tpu.memref_squeeze %dma_start3A_58 : memref<1x300xf32, #tpu.memory_space<hbm>> -> memref<300xf32, #tpu.memory_space<hbm>>
        %dma_start3A_60 = arith.constant 0 : i32
        %dma_start3A_61 = tpu.memref_slice %arg6[%add3A_54, %dma_start3A_60] : memref<128x300xf32, #tpu.memory_space<vmem>> -> memref<1x300xf32, #tpu.memory_space<vmem>>
        %dma_start3A_62 = tpu.memref_squeeze %dma_start3A_61 : memref<1x300xf32, #tpu.memory_space<vmem>> -> memref<300xf32, #tpu.memory_space<vmem>>
        %dma_start3A_63 = arith.constant 0 : i32
        %dma_start3A_64 = tpu.memref_slice %arg2[%squeeze3A, %dma_start3A_63] : memref<100000x300xf32, #tpu.memory_space<hbm>> -> memref<1x300xf32, #tpu.memory_space<hbm>>
        %dma_start3A_65 = tpu.memref_squeeze %dma_start3A_64 : memref<1x300xf32, #tpu.memory_space<hbm>> -> memref<300xf32, #tpu.memory_space<hbm>>
        tpu.enqueue_dma source(%dma_start3A_65 : memref<300xf32, #tpu.memory_space<hbm>>) target(%dma_start3A_62 : memref<300xf32, #tpu.memory_space<vmem>>) target_semaphore(%arg8 : memref<!tpu.dma_semaphore, #tpu.memory_space<semaphore_mem>>)
        %slice3A_66 = vector.extract_strided_slice %get3A_52 {offsets = [1], sizes = [1], strides = [1]} : vector<16xi32> to vector<1xi32>
        %squeeze3A_67 = vector.extract %slice3A_66[0] : i32 from vector<1xi32>
        %add3A_68 = arith.constant 1 : i32
        %add3A_69 = arith.addi %add3A_47, %add3A_68 : i32
        %dma_start3A_70 = arith.constant 0 : i32
        %dma_start3A_71 = tpu.memref_slice %arg6[%add3A_69, %dma_start3A_70] : memref<128x300xf32, #tpu.memory_space<vmem>> -> memref<1x300xf32, #tpu.memory_space<vmem>>
        %dma_start3A_72 = tpu.memref_squeeze %dma_start3A_71 : memref<1x300xf32, #tpu.memory_space<vmem>> -> memref<300xf32, #tpu.memory_space<vmem>>
        %dma_start3A_73 = arith.constant 0 : i32
        %dma_start3A_74 = tpu.memref_slice %arg2[%squeeze3A_67, %dma_start3A_73] : memref<100000x300xf32, #tpu.memory_space<hbm>> -> memref<1x300xf32, #tpu.memory_space<hbm>>
        %dma_start3A_75 = tpu.memref_squeeze %dma_start3A_74 : memref<1x300xf32, #tpu.memory_space<hbm>> -> memref<300xf32, #tpu.memory_space<hbm>>
        %dma_start3A_76 = arith.constant 0 : i32
        %dma_start3A_77 = tpu.memref_slice %arg6[%add3A_69, %dma_start3A_76] : memref<128x300xf32, #tpu.memory_space<vmem>> -> memref<1x300xf32, #tpu.memory_space<vmem>>
        %dma_start3A_78 = tpu.memref_squeeze %dma_start3A_77 : memref<1x300xf32, #tpu.memory_space<vmem>> -> memref<300xf32, #tpu.memory_space<vmem>>
        %dma_start3A_79 = arith.constant 0 : i32
        %dma_start3A_80 = tpu.memref_slice %arg2[%squeeze3A_67, %dma_start3A_79] : memref<100000x300xf32, #tpu.memory_space<hbm>> -> memref<1x300xf32, #tpu.memory_space<hbm>>
        %dma_start3A_81 = tpu.memref_squeeze %dma_start3A_80 : memref<1x300xf32, #tpu.memory_space<hbm>> -> memref<300xf32, #tpu.memory_space<hbm>>
        tpu.enqueue_dma source(%dma_start3A_81 : memref<300xf32, #tpu.memory_space<hbm>>) target(%dma_start3A_78 : memref<300xf32, #tpu.memory_space<vmem>>) target_semaphore(%arg8 : memref<!tpu.dma_semaphore, #tpu.memory_space<semaphore_mem>>)
        %slice3A_82 = vector.extract_strided_slice %get3A_52 {offsets = [2], sizes = [1], strides = [1]} : vector<16xi32> to vector<1xi32>
        %squeeze3A_83 = vector.extract %slice3A_82[0] : i32 from vector<1xi32>
        %add3A_84 = arith.constant 2 : i32
        %add3A_85 = arith.addi %add3A_47, %add3A_84 : i32
        %dma_start3A_86 = arith.constant 0 : i32
        %dma_start3A_87 = tpu.memref_slice %arg6[%add3A_85, %dma_start3A_86] : memref<128x300xf32, #tpu.memory_space<vmem>> -> memref<1x300xf32, #tpu.memory_space<vmem>>
        %dma_start3A_88 = tpu.memref_squeeze %dma_start3A_87 : memref<1x300xf32, #tpu.memory_space<vmem>> -> memref<300xf32, #tpu.memory_space<vmem>>
        %dma_start3A_89 = arith.constant 0 : i32
        %dma_start3A_90 = tpu.memref_slice %arg2[%squeeze3A_83, %dma_start3A_89] : memref<100000x300xf32, #tpu.memory_space<hbm>> -> memref<1x300xf32, #tpu.memory_space<hbm>>
        %dma_start3A_91 = tpu.memref_squeeze %dma_start3A_90 : memref<1x300xf32, #tpu.memory_space<hbm>> -> memref<300xf32, #tpu.memory_space<hbm>>
        %dma_start3A_92 = arith.constant 0 : i32
        %dma_start3A_93 = tpu.memref_slice %arg6[%add3A_85, %dma_start3A_92] : memref<128x300xf32, #tpu.memory_space<vmem>> -> memref<1x300xf32, #tpu.memory_space<vmem>>
        %dma_start3A_94 = tpu.memref_squeeze %dma_start3A_93 : memref<1x300xf32, #tpu.memory_space<vmem>> -> memref<300xf32, #tpu.memory_space<vmem>>
        %dma_start3A_95 = arith.constant 0 : i32
        %dma_start3A_96 = tpu.memref_slice %arg2[%squeeze3A_83, %dma_start3A_95] : memref<100000x300xf32, #tpu.memory_space<hbm>> -> memref<1x300xf32, #tpu.memory_space<hbm>>
        %dma_start3A_97 = tpu.memref_squeeze %dma_start3A_96 : memref<1x300xf32, #tpu.memory_space<hbm>> -> memref<300xf32, #tpu.memory_space<hbm>>
        tpu.enqueue_dma source(%dma_start3A_97 : memref<300xf32, #tpu.memory_space<hbm>>) target(%dma_start3A_94 : memref<300xf32, #tpu.memory_space<vmem>>) target_semaphore(%arg8 : memref<!tpu.dma_semaphore, #tpu.memory_space<semaphore_mem>>)
        %slice3A_98 = vector.extract_strided_slice %get3A_52 {offsets = [3], sizes = [1], strides = [1]} : vector<16xi32> to vector<1xi32>
        %squeeze3A_99 = vector.extract %slice3A_98[0] : i32 from vector<1xi32>
        %add3A_100 = arith.constant 3 : i32
        %add3A_101 = arith.addi %add3A_47, %add3A_100 : i32
        %dma_start3A_102 = arith.constant 0 : i32
        %dma_start3A_103 = tpu.memref_slice %arg6[%add3A_101, %dma_start3A_102] : memref<128x300xf32, #tpu.memory_space<vmem>> -> memref<1x300xf32, #tpu.memory_space<vmem>>
        %dma_start3A_104 = tpu.memref_squeeze %dma_start3A_103 : memref<1x300xf32, #tpu.memory_space<vmem>> -> memref<300xf32, #tpu.memory_space<vmem>>
        %dma_start3A_105 = arith.constant 0 : i32
        %dma_start3A_106 = tpu.memref_slice %arg2[%squeeze3A_99, %dma_start3A_105] : memref<100000x300xf32, #tpu.memory_space<hbm>> -> memref<1x300xf32, #tpu.memory_space<hbm>>
        %dma_start3A_107 = tpu.memref_squeeze %dma_start3A_106 : memref<1x300xf32, #tpu.memory_space<hbm>> -> memref<300xf32, #tpu.memory_space<hbm>>
        %dma_start3A_108 = arith.constant 0 : i32
        %dma_start3A_109 = tpu.memref_slice %arg6[%add3A_101, %dma_start3A_108] : memref<128x300xf32, #tpu.memory_space<vmem>> -> memref<1x300xf32, #tpu.memory_space<vmem>>
        %dma_start3A_110 = tpu.memref_squeeze %dma_start3A_109 : memref<1x300xf32, #tpu.memory_space<vmem>> -> memref<300xf32, #tpu.memory_space<vmem>>
        %dma_start3A_111 = arith.constant 0 : i32
        %dma_start3A_112 = tpu.memref_slice %arg2[%squeeze3A_99, %dma_start3A_111] : memref<100000x300xf32, #tpu.memory_space<hbm>> -> memref<1x300xf32, #tpu.memory_space<hbm>>
        %dma_start3A_113 = tpu.memref_squeeze %dma_start3A_112 : memref<1x300xf32, #tpu.memory_space<hbm>> -> memref<300xf32, #tpu.memory_space<hbm>>
        tpu.enqueue_dma source(%dma_start3A_113 : memref<300xf32, #tpu.memory_space<hbm>>) target(%dma_start3A_110 : memref<300xf32, #tpu.memory_space<vmem>>) target_semaphore(%arg8 : memref<!tpu.dma_semaphore, #tpu.memory_space<semaphore_mem>>)
        %slice3A_114 = vector.extract_strided_slice %get3A_52 {offsets = [4], sizes = [1], strides = [1]} : vector<16xi32> to vector<1xi32>
        %squeeze3A_115 = vector.extract %slice3A_114[0] : i32 from vector<1xi32>
        %add3A_116 = arith.constant 4 : i32
        %add3A_117 = arith.addi %add3A_47, %add3A_116 : i32
        %dma_start3A_118 = arith.constant 0 : i32
        %dma_start3A_119 = tpu.memref_slice %arg6[%add3A_117, %dma_start3A_118] : memref<128x300xf32, #tpu.memory_space<vmem>> -> memref<1x300xf32, #tpu.memory_space<vmem>>
        %dma_start3A_120 = tpu.memref_squeeze %dma_start3A_119 : memref<1x300xf32, #tpu.memory_space<vmem>> -> memref<300xf32, #tpu.memory_space<vmem>>
        %dma_start3A_121 = arith.constant 0 : i32
        %dma_start3A_122 = tpu.memref_slice %arg2[%squeeze3A_115, %dma_start3A_121] : memref<100000x300xf32, #tpu.memory_space<hbm>> -> memref<1x300xf32, #tpu.memory_space<hbm>>
        %dma_start3A_123 = tpu.memref_squeeze %dma_start3A_122 : memref<1x300xf32, #tpu.memory_space<hbm>> -> memref<300xf32, #tpu.memory_space<hbm>>
        %dma_start3A_124 = arith.constant 0 : i32
        %dma_start3A_125 = tpu.memref_slice %arg6[%add3A_117, %dma_start3A_124] : memref<128x300xf32, #tpu.memory_space<vmem>> -> memref<1x300xf32, #tpu.memory_space<vmem>>
        %dma_start3A_126 = tpu.memref_squeeze %dma_start3A_125 : memref<1x300xf32, #tpu.memory_space<vmem>> -> memref<300xf32, #tpu.memory_space<vmem>>
        %dma_start3A_127 = arith.constant 0 : i32
        %dma_start3A_128 = tpu.memref_slice %arg2[%squeeze3A_115, %dma_start3A_127] : memref<100000x300xf32, #tpu.memory_space<hbm>> -> memref<1x300xf32, #tpu.memory_space<hbm>>
        %dma_start3A_129 = tpu.memref_squeeze %dma_start3A_128 : memref<1x300xf32, #tpu.memory_space<hbm>> -> memref<300xf32, #tpu.memory_space<hbm>>
        tpu.enqueue_dma source(%dma_start3A_129 : memref<300xf32, #tpu.memory_space<hbm>>) target(%dma_start3A_126 : memref<300xf32, #tpu.memory_space<vmem>>) target_semaphore(%arg8 : memref<!tpu.dma_semaphore, #tpu.memory_space<semaphore_mem>>)
        %slice3A_130 = vector.extract_strided_slice %get3A_52 {offsets = [5], sizes = [1], strides = [1]} : vector<16xi32> to vector<1xi32>
        %squeeze3A_131 = vector.extract %slice3A_130[0] : i32 from vector<1xi32>
        %add3A_132 = arith.constant 5 : i32
        %add3A_133 = arith.addi %add3A_47, %add3A_132 : i32
        %dma_start3A_134 = arith.constant 0 : i32
        %dma_start3A_135 = tpu.memref_slice %arg6[%add3A_133, %dma_start3A_134] : memref<128x300xf32, #tpu.memory_space<vmem>> -> memref<1x300xf32, #tpu.memory_space<vmem>>
        %dma_start3A_136 = tpu.memref_squeeze %dma_start3A_135 : memref<1x300xf32, #tpu.memory_space<vmem>> -> memref<300xf32, #tpu.memory_space<vmem>>
        %dma_start3A_137 = arith.constant 0 : i32
        %dma_start3A_138 = tpu.memref_slice %arg2[%squeeze3A_131, %dma_start3A_137] : memref<100000x300xf32, #tpu.memory_space<hbm>> -> memref<1x300xf32, #tpu.memory_space<hbm>>
        %dma_start3A_139 = tpu.memref_squeeze %dma_start3A_138 : memref<1x300xf32, #tpu.memory_space<hbm>> -> memref<300xf32, #tpu.memory_space<hbm>>
        %dma_start3A_140 = arith.constant 0 : i32
        %dma_start3A_141 = tpu.memref_slice %arg6[%add3A_133, %dma_start3A_140] : memref<128x300xf32, #tpu.memory_space<vmem>> -> memref<1x300xf32, #tpu.memory_space<vmem>>
        %dma_start3A_142 = tpu.memref_squeeze %dma_start3A_141 : memref<1x300xf32, #tpu.memory_space<vmem>> -> memref<300xf32, #tpu.memory_space<vmem>>
        %dma_start3A_143 = arith.constant 0 : i32
        %dma_start3A_144 = tpu.memref_slice %arg2[%squeeze3A_131, %dma_start3A_143] : memref<100000x300xf32, #tpu.memory_space<hbm>> -> memref<1x300xf32, #tpu.memory_space<hbm>>
        %dma_start3A_145 = tpu.memref_squeeze %dma_start3A_144 : memref<1x300xf32, #tpu.memory_space<hbm>> -> memref<300xf32, #tpu.memory_space<hbm>>
        tpu.enqueue_dma source(%dma_start3A_145 : memref<300xf32, #tpu.memory_space<hbm>>) target(%dma_start3A_142 : memref<300xf32, #tpu.memory_space<vmem>>) target_semaphore(%arg8 : memref<!tpu.dma_semaphore, #tpu.memory_space<semaphore_mem>>)
        %slice3A_146 = vector.extract_strided_slice %get3A_52 {offsets = [6], sizes = [1], strides = [1]} : vector<16xi32> to vector<1xi32>
        %squeeze3A_147 = vector.extract %slice3A_146[0] : i32 from vector<1xi32>
        %add3A_148 = arith.constant 6 : i32
        %add3A_149 = arith.addi %add3A_47, %add3A_148 : i32
        %dma_start3A_150 = arith.constant 0 : i32
        %dma_start3A_151 = tpu.memref_slice %arg6[%add3A_149, %dma_start3A_150] : memref<128x300xf32, #tpu.memory_space<vmem>> -> memref<1x300xf32, #tpu.memory_space<vmem>>
        %dma_start3A_152 = tpu.memref_squeeze %dma_start3A_151 : memref<1x300xf32, #tpu.memory_space<vmem>> -> memref<300xf32, #tpu.memory_space<vmem>>
        %dma_start3A_153 = arith.constant 0 : i32
        %dma_start3A_154 = tpu.memref_slice %arg2[%squeeze3A_147, %dma_start3A_153] : memref<100000x300xf32, #tpu.memory_space<hbm>> -> memref<1x300xf32, #tpu.memory_space<hbm>>
        %dma_start3A_155 = tpu.memref_squeeze %dma_start3A_154 : memref<1x300xf32, #tpu.memory_space<hbm>> -> memref<300xf32, #tpu.memory_space<hbm>>
        %dma_start3A_156 = arith.constant 0 : i32
        %dma_start3A_157 = tpu.memref_slice %arg6[%add3A_149, %dma_start3A_156] : memref<128x300xf32, #tpu.memory_space<vmem>> -> memref<1x300xf32, #tpu.memory_space<vmem>>
        %dma_start3A_158 = tpu.memref_squeeze %dma_start3A_157 : memref<1x300xf32, #tpu.memory_space<vmem>> -> memref<300xf32, #tpu.memory_space<vmem>>
        %dma_start3A_159 = arith.constant 0 : i32
        %dma_start3A_160 = tpu.memref_slice %arg2[%squeeze3A_147, %dma_start3A_159] : memref<100000x300xf32, #tpu.memory_space<hbm>> -> memref<1x300xf32, #tpu.memory_space<hbm>>
        %dma_start3A_161 = tpu.memref_squeeze %dma_start3A_160 : memref<1x300xf32, #tpu.memory_space<hbm>> -> memref<300xf32, #tpu.memory_space<hbm>>
        tpu.enqueue_dma source(%dma_start3A_161 : memref<300xf32, #tpu.memory_space<hbm>>) target(%dma_start3A_158 : memref<300xf32, #tpu.memory_space<vmem>>) target_semaphore(%arg8 : memref<!tpu.dma_semaphore, #tpu.memory_space<semaphore_mem>>)
        %slice3A_162 = vector.extract_strided_slice %get3A_52 {offsets = [7], sizes = [1], strides = [1]} : vector<16xi32> to vector<1xi32>
        %squeeze3A_163 = vector.extract %slice3A_162[0] : i32 from vector<1xi32>
        %add3A_164 = arith.constant 7 : i32
        %add3A_165 = arith.addi %add3A_47, %add3A_164 : i32
        %dma_start3A_166 = arith.constant 0 : i32
        %dma_start3A_167 = tpu.memref_slice %arg6[%add3A_165, %dma_start3A_166] : memref<128x300xf32, #tpu.memory_space<vmem>> -> memref<1x300xf32, #tpu.memory_space<vmem>>
        %dma_start3A_168 = tpu.memref_squeeze %dma_start3A_167 : memref<1x300xf32, #tpu.memory_space<vmem>> -> memref<300xf32, #tpu.memory_space<vmem>>
        %dma_start3A_169 = arith.constant 0 : i32
        %dma_start3A_170 = tpu.memref_slice %arg2[%squeeze3A_163, %dma_start3A_169] : memref<100000x300xf32, #tpu.memory_space<hbm>> -> memref<1x300xf32, #tpu.memory_space<hbm>>
        %dma_start3A_171 = tpu.memref_squeeze %dma_start3A_170 : memref<1x300xf32, #tpu.memory_space<hbm>> -> memref<300xf32, #tpu.memory_space<hbm>>
        %dma_start3A_172 = arith.constant 0 : i32
        %dma_start3A_173 = tpu.memref_slice %arg6[%add3A_165, %dma_start3A_172] : memref<128x300xf32, #tpu.memory_space<vmem>> -> memref<1x300xf32, #tpu.memory_space<vmem>>
        %dma_start3A_174 = tpu.memref_squeeze %dma_start3A_173 : memref<1x300xf32, #tpu.memory_space<vmem>> -> memref<300xf32, #tpu.memory_space<vmem>>
        %dma_start3A_175 = arith.constant 0 : i32
        %dma_start3A_176 = tpu.memref_slice %arg2[%squeeze3A_163, %dma_start3A_175] : memref<100000x300xf32, #tpu.memory_space<hbm>> -> memref<1x300xf32, #tpu.memory_space<hbm>>
        %dma_start3A_177 = tpu.memref_squeeze %dma_start3A_176 : memref<1x300xf32, #tpu.memory_space<hbm>> -> memref<300xf32, #tpu.memory_space<hbm>>
        tpu.enqueue_dma source(%dma_start3A_177 : memref<300xf32, #tpu.memory_space<hbm>>) target(%dma_start3A_174 : memref<300xf32, #tpu.memory_space<vmem>>) target_semaphore(%arg8 : memref<!tpu.dma_semaphore, #tpu.memory_space<semaphore_mem>>)
        %slice3A_178 = vector.extract_strided_slice %get3A_52 {offsets = [8], sizes = [1], strides = [1]} : vector<16xi32> to vector<1xi32>
        %squeeze3A_179 = vector.extract %slice3A_178[0] : i32 from vector<1xi32>
        %add3A_180 = arith.constant 8 : i32
        %add3A_181 = arith.addi %add3A_47, %add3A_180 : i32
        %dma_start3A_182 = arith.constant 0 : i32
        %dma_start3A_183 = tpu.memref_slice %arg6[%add3A_181, %dma_start3A_182] : memref<128x300xf32, #tpu.memory_space<vmem>> -> memref<1x300xf32, #tpu.memory_space<vmem>>
        %dma_start3A_184 = tpu.memref_squeeze %dma_start3A_183 : memref<1x300xf32, #tpu.memory_space<vmem>> -> memref<300xf32, #tpu.memory_space<vmem>>
        %dma_start3A_185 = arith.constant 0 : i32
        %dma_start3A_186 = tpu.memref_slice %arg2[%squeeze3A_179, %dma_start3A_185] : memref<100000x300xf32, #tpu.memory_space<hbm>> -> memref<1x300xf32, #tpu.memory_space<hbm>>
        %dma_start3A_187 = tpu.memref_squeeze %dma_start3A_186 : memref<1x300xf32, #tpu.memory_space<hbm>> -> memref<300xf32, #tpu.memory_space<hbm>>
        %dma_start3A_188 = arith.constant 0 : i32
        %dma_start3A_189 = tpu.memref_slice %arg6[%add3A_181, %dma_start3A_188] : memref<128x300xf32, #tpu.memory_space<vmem>> -> memref<1x300xf32, #tpu.memory_space<vmem>>
        %dma_start3A_190 = tpu.memref_squeeze %dma_start3A_189 : memref<1x300xf32, #tpu.memory_space<vmem>> -> memref<300xf32, #tpu.memory_space<vmem>>
        %dma_start3A_191 = arith.constant 0 : i32
        %dma_start3A_192 = tpu.memref_slice %arg2[%squeeze3A_179, %dma_start3A_191] : memref<100000x300xf32, #tpu.memory_space<hbm>> -> memref<1x300xf32, #tpu.memory_space<hbm>>
        %dma_start3A_193 = tpu.memref_squeeze %dma_start3A_192 : memref<1x300xf32, #tpu.memory_space<hbm>> -> memref<300xf32, #tpu.memory_space<hbm>>
        tpu.enqueue_dma source(%dma_start3A_193 : memref<300xf32, #tpu.memory_space<hbm>>) target(%dma_start3A_190 : memref<300xf32, #tpu.memory_space<vmem>>) target_semaphore(%arg8 : memref<!tpu.dma_semaphore, #tpu.memory_space<semaphore_mem>>)
        %slice3A_194 = vector.extract_strided_slice %get3A_52 {offsets = [9], sizes = [1], strides = [1]} : vector<16xi32> to vector<1xi32>
        %squeeze3A_195 = vector.extract %slice3A_194[0] : i32 from vector<1xi32>
        %add3A_196 = arith.constant 9 : i32
        %add3A_197 = arith.addi %add3A_47, %add3A_196 : i32
        %dma_start3A_198 = arith.constant 0 : i32
        %dma_start3A_199 = tpu.memref_slice %arg6[%add3A_197, %dma_start3A_198] : memref<128x300xf32, #tpu.memory_space<vmem>> -> memref<1x300xf32, #tpu.memory_space<vmem>>
        %dma_start3A_200 = tpu.memref_squeeze %dma_start3A_199 : memref<1x300xf32, #tpu.memory_space<vmem>> -> memref<300xf32, #tpu.memory_space<vmem>>
        %dma_start3A_201 = arith.constant 0 : i32
        %dma_start3A_202 = tpu.memref_slice %arg2[%squeeze3A_195, %dma_start3A_201] : memref<100000x300xf32, #tpu.memory_space<hbm>> -> memref<1x300xf32, #tpu.memory_space<hbm>>
        %dma_start3A_203 = tpu.memref_squeeze %dma_start3A_202 : memref<1x300xf32, #tpu.memory_space<hbm>> -> memref<300xf32, #tpu.memory_space<hbm>>
        %dma_start3A_204 = arith.constant 0 : i32
        %dma_start3A_205 = tpu.memref_slice %arg6[%add3A_197, %dma_start3A_204] : memref<128x300xf32, #tpu.memory_space<vmem>> -> memref<1x300xf32, #tpu.memory_space<vmem>>
        %dma_start3A_206 = tpu.memref_squeeze %dma_start3A_205 : memref<1x300xf32, #tpu.memory_space<vmem>> -> memref<300xf32, #tpu.memory_space<vmem>>
        %dma_start3A_207 = arith.constant 0 : i32
        %dma_start3A_208 = tpu.memref_slice %arg2[%squeeze3A_195, %dma_start3A_207] : memref<100000x300xf32, #tpu.memory_space<hbm>> -> memref<1x300xf32, #tpu.memory_space<hbm>>
        %dma_start3A_209 = tpu.memref_squeeze %dma_start3A_208 : memref<1x300xf32, #tpu.memory_space<hbm>> -> memref<300xf32, #tpu.memory_space<hbm>>
        tpu.enqueue_dma source(%dma_start3A_209 : memref<300xf32, #tpu.memory_space<hbm>>) target(%dma_start3A_206 : memref<300xf32, #tpu.memory_space<vmem>>) target_semaphore(%arg8 : memref<!tpu.dma_semaphore, #tpu.memory_space<semaphore_mem>>)
        %slice3A_210 = vector.extract_strided_slice %get3A_52 {offsets = [10], sizes = [1], strides = [1]} : vector<16xi32> to vector<1xi32>
        %squeeze3A_211 = vector.extract %slice3A_210[0] : i32 from vector<1xi32>
        %add3A_212 = arith.constant 10 : i32
        %add3A_213 = arith.addi %add3A_47, %add3A_212 : i32
        %dma_start3A_214 = arith.constant 0 : i32
        %dma_start3A_215 = tpu.memref_slice %arg6[%add3A_213, %dma_start3A_214] : memref<128x300xf32, #tpu.memory_space<vmem>> -> memref<1x300xf32, #tpu.memory_space<vmem>>
        %dma_start3A_216 = tpu.memref_squeeze %dma_start3A_215 : memref<1x300xf32, #tpu.memory_space<vmem>> -> memref<300xf32, #tpu.memory_space<vmem>>
        %dma_start3A_217 = arith.constant 0 : i32
        %dma_start3A_218 = tpu.memref_slice %arg2[%squeeze3A_211, %dma_start3A_217] : memref<100000x300xf32, #tpu.memory_space<hbm>> -> memref<1x300xf32, #tpu.memory_space<hbm>>
        %dma_start3A_219 = tpu.memref_squeeze %dma_start3A_218 : memref<1x300xf32, #tpu.memory_space<hbm>> -> memref<300xf32, #tpu.memory_space<hbm>>
        %dma_start3A_220 = arith.constant 0 : i32
        %dma_start3A_221 = tpu.memref_slice %arg6[%add3A_213, %dma_start3A_220] : memref<128x300xf32, #tpu.memory_space<vmem>> -> memref<1x300xf32, #tpu.memory_space<vmem>>
        %dma_start3A_222 = tpu.memref_squeeze %dma_start3A_221 : memref<1x300xf32, #tpu.memory_space<vmem>> -> memref<300xf32, #tpu.memory_space<vmem>>
        %dma_start3A_223 = arith.constant 0 : i32
        %dma_start3A_224 = tpu.memref_slice %arg2[%squeeze3A_211, %dma_start3A_223] : memref<100000x300xf32, #tpu.memory_space<hbm>> -> memref<1x300xf32, #tpu.memory_space<hbm>>
        %dma_start3A_225 = tpu.memref_squeeze %dma_start3A_224 : memref<1x300xf32, #tpu.memory_space<hbm>> -> memref<300xf32, #tpu.memory_space<hbm>>
        tpu.enqueue_dma source(%dma_start3A_225 : memref<300xf32, #tpu.memory_space<hbm>>) target(%dma_start3A_222 : memref<300xf32, #tpu.memory_space<vmem>>) target_semaphore(%arg8 : memref<!tpu.dma_semaphore, #tpu.memory_space<semaphore_mem>>)
        %slice3A_226 = vector.extract_strided_slice %get3A_52 {offsets = [11], sizes = [1], strides = [1]} : vector<16xi32> to vector<1xi32>
        %squeeze3A_227 = vector.extract %slice3A_226[0] : i32 from vector<1xi32>
        %add3A_228 = arith.constant 11 : i32
        %add3A_229 = arith.addi %add3A_47, %add3A_228 : i32
        %dma_start3A_230 = arith.constant 0 : i32
        %dma_start3A_231 = tpu.memref_slice %arg6[%add3A_229, %dma_start3A_230] : memref<128x300xf32, #tpu.memory_space<vmem>> -> memref<1x300xf32, #tpu.memory_space<vmem>>
        %dma_start3A_232 = tpu.memref_squeeze %dma_start3A_231 : memref<1x300xf32, #tpu.memory_space<vmem>> -> memref<300xf32, #tpu.memory_space<vmem>>
        %dma_start3A_233 = arith.constant 0 : i32
        %dma_start3A_234 = tpu.memref_slice %arg2[%squeeze3A_227, %dma_start3A_233] : memref<100000x300xf32, #tpu.memory_space<hbm>> -> memref<1x300xf32, #tpu.memory_space<hbm>>
        %dma_start3A_235 = tpu.memref_squeeze %dma_start3A_234 : memref<1x300xf32, #tpu.memory_space<hbm>> -> memref<300xf32, #tpu.memory_space<hbm>>
        %dma_start3A_236 = arith.constant 0 : i32
        %dma_start3A_237 = tpu.memref_slice %arg6[%add3A_229, %dma_start3A_236] : memref<128x300xf32, #tpu.memory_space<vmem>> -> memref<1x300xf32, #tpu.memory_space<vmem>>
        %dma_start3A_238 = tpu.memref_squeeze %dma_start3A_237 : memref<1x300xf32, #tpu.memory_space<vmem>> -> memref<300xf32, #tpu.memory_space<vmem>>
        %dma_start3A_239 = arith.constant 0 : i32
        %dma_start3A_240 = tpu.memref_slice %arg2[%squeeze3A_227, %dma_start3A_239] : memref<100000x300xf32, #tpu.memory_space<hbm>> -> memref<1x300xf32, #tpu.memory_space<hbm>>
        %dma_start3A_241 = tpu.memref_squeeze %dma_start3A_240 : memref<1x300xf32, #tpu.memory_space<hbm>> -> memref<300xf32, #tpu.memory_space<hbm>>
        tpu.enqueue_dma source(%dma_start3A_241 : memref<300xf32, #tpu.memory_space<hbm>>) target(%dma_start3A_238 : memref<300xf32, #tpu.memory_space<vmem>>) target_semaphore(%arg8 : memref<!tpu.dma_semaphore, #tpu.memory_space<semaphore_mem>>)
        %slice3A_242 = vector.extract_strided_slice %get3A_52 {offsets = [12], sizes = [1], strides = [1]} : vector<16xi32> to vector<1xi32>
        %squeeze3A_243 = vector.extract %slice3A_242[0] : i32 from vector<1xi32>
        %add3A_244 = arith.constant 12 : i32
        %add3A_245 = arith.addi %add3A_47, %add3A_244 : i32
        %dma_start3A_246 = arith.constant 0 : i32
        %dma_start3A_247 = tpu.memref_slice %arg6[%add3A_245, %dma_start3A_246] : memref<128x300xf32, #tpu.memory_space<vmem>> -> memref<1x300xf32, #tpu.memory_space<vmem>>
        %dma_start3A_248 = tpu.memref_squeeze %dma_start3A_247 : memref<1x300xf32, #tpu.memory_space<vmem>> -> memref<300xf32, #tpu.memory_space<vmem>>
        %dma_start3A_249 = arith.constant 0 : i32
        %dma_start3A_250 = tpu.memref_slice %arg2[%squeeze3A_243, %dma_start3A_249] : memref<100000x300xf32, #tpu.memory_space<hbm>> -> memref<1x300xf32, #tpu.memory_space<hbm>>
        %dma_start3A_251 = tpu.memref_squeeze %dma_start3A_250 : memref<1x300xf32, #tpu.memory_space<hbm>> -> memref<300xf32, #tpu.memory_space<hbm>>
        %dma_start3A_252 = arith.constant 0 : i32
        %dma_start3A_253 = tpu.memref_slice %arg6[%add3A_245, %dma_start3A_252] : memref<128x300xf32, #tpu.memory_space<vmem>> -> memref<1x300xf32, #tpu.memory_space<vmem>>
        %dma_start3A_254 = tpu.memref_squeeze %dma_start3A_253 : memref<1x300xf32, #tpu.memory_space<vmem>> -> memref<300xf32, #tpu.memory_space<vmem>>
        %dma_start3A_255 = arith.constant 0 : i32
        %dma_start3A_256 = tpu.memref_slice %arg2[%squeeze3A_243, %dma_start3A_255] : memref<100000x300xf32, #tpu.memory_space<hbm>> -> memref<1x300xf32, #tpu.memory_space<hbm>>
        %dma_start3A_257 = tpu.memref_squeeze %dma_start3A_256 : memref<1x300xf32, #tpu.memory_space<hbm>> -> memref<300xf32, #tpu.memory_space<hbm>>
        tpu.enqueue_dma source(%dma_start3A_257 : memref<300xf32, #tpu.memory_space<hbm>>) target(%dma_start3A_254 : memref<300xf32, #tpu.memory_space<vmem>>) target_semaphore(%arg8 : memref<!tpu.dma_semaphore, #tpu.memory_space<semaphore_mem>>)
        %slice3A_258 = vector.extract_strided_slice %get3A_52 {offsets = [13], sizes = [1], strides = [1]} : vector<16xi32> to vector<1xi32>
        %squeeze3A_259 = vector.extract %slice3A_258[0] : i32 from vector<1xi32>
        %add3A_260 = arith.constant 13 : i32
        %add3A_261 = arith.addi %add3A_47, %add3A_260 : i32
        %dma_start3A_262 = arith.constant 0 : i32
        %dma_start3A_263 = tpu.memref_slice %arg6[%add3A_261, %dma_start3A_262] : memref<128x300xf32, #tpu.memory_space<vmem>> -> memref<1x300xf32, #tpu.memory_space<vmem>>
        %dma_start3A_264 = tpu.memref_squeeze %dma_start3A_263 : memref<1x300xf32, #tpu.memory_space<vmem>> -> memref<300xf32, #tpu.memory_space<vmem>>
        %dma_start3A_265 = arith.constant 0 : i32
        %dma_start3A_266 = tpu.memref_slice %arg2[%squeeze3A_259, %dma_start3A_265] : memref<100000x300xf32, #tpu.memory_space<hbm>> -> memref<1x300xf32, #tpu.memory_space<hbm>>
        %dma_start3A_267 = tpu.memref_squeeze %dma_start3A_266 : memref<1x300xf32, #tpu.memory_space<hbm>> -> memref<300xf32, #tpu.memory_space<hbm>>
        %dma_start3A_268 = arith.constant 0 : i32
        %dma_start3A_269 = tpu.memref_slice %arg6[%add3A_261, %dma_start3A_268] : memref<128x300xf32, #tpu.memory_space<vmem>> -> memref<1x300xf32, #tpu.memory_space<vmem>>
        %dma_start3A_270 = tpu.memref_squeeze %dma_start3A_269 : memref<1x300xf32, #tpu.memory_space<vmem>> -> memref<300xf32, #tpu.memory_space<vmem>>
        %dma_start3A_271 = arith.constant 0 : i32
        %dma_start3A_272 = tpu.memref_slice %arg2[%squeeze3A_259, %dma_start3A_271] : memref<100000x300xf32, #tpu.memory_space<hbm>> -> memref<1x300xf32, #tpu.memory_space<hbm>>
        %dma_start3A_273 = tpu.memref_squeeze %dma_start3A_272 : memref<1x300xf32, #tpu.memory_space<hbm>> -> memref<300xf32, #tpu.memory_space<hbm>>
        tpu.enqueue_dma source(%dma_start3A_273 : memref<300xf32, #tpu.memory_space<hbm>>) target(%dma_start3A_270 : memref<300xf32, #tpu.memory_space<vmem>>) target_semaphore(%arg8 : memref<!tpu.dma_semaphore, #tpu.memory_space<semaphore_mem>>)
        %slice3A_274 = vector.extract_strided_slice %get3A_52 {offsets = [14], sizes = [1], strides = [1]} : vector<16xi32> to vector<1xi32>
        %squeeze3A_275 = vector.extract %slice3A_274[0] : i32 from vector<1xi32>
        %add3A_276 = arith.constant 14 : i32
        %add3A_277 = arith.addi %add3A_47, %add3A_276 : i32
        %dma_start3A_278 = arith.constant 0 : i32
        %dma_start3A_279 = tpu.memref_slice %arg6[%add3A_277, %dma_start3A_278] : memref<128x300xf32, #tpu.memory_space<vmem>> -> memref<1x300xf32, #tpu.memory_space<vmem>>
        %dma_start3A_280 = tpu.memref_squeeze %dma_start3A_279 : memref<1x300xf32, #tpu.memory_space<vmem>> -> memref<300xf32, #tpu.memory_space<vmem>>
        %dma_start3A_281 = arith.constant 0 : i32
        %dma_start3A_282 = tpu.memref_slice %arg2[%squeeze3A_275, %dma_start3A_281] : memref<100000x300xf32, #tpu.memory_space<hbm>> -> memref<1x300xf32, #tpu.memory_space<hbm>>
        %dma_start3A_283 = tpu.memref_squeeze %dma_start3A_282 : memref<1x300xf32, #tpu.memory_space<hbm>> -> memref<300xf32, #tpu.memory_space<hbm>>
        %dma_start3A_284 = arith.constant 0 : i32
        %dma_start3A_285 = tpu.memref_slice %arg6[%add3A_277, %dma_start3A_284] : memref<128x300xf32, #tpu.memory_space<vmem>> -> memref<1x300xf32, #tpu.memory_space<vmem>>
        %dma_start3A_286 = tpu.memref_squeeze %dma_start3A_285 : memref<1x300xf32, #tpu.memory_space<vmem>> -> memref<300xf32, #tpu.memory_space<vmem>>
        %dma_start3A_287 = arith.constant 0 : i32
        %dma_start3A_288 = tpu.memref_slice %arg2[%squeeze3A_275, %dma_start3A_287] : memref<100000x300xf32, #tpu.memory_space<hbm>> -> memref<1x300xf32, #tpu.memory_space<hbm>>
        %dma_start3A_289 = tpu.memref_squeeze %dma_start3A_288 : memref<1x300xf32, #tpu.memory_space<hbm>> -> memref<300xf32, #tpu.memory_space<hbm>>
        tpu.enqueue_dma source(%dma_start3A_289 : memref<300xf32, #tpu.memory_space<hbm>>) target(%dma_start3A_286 : memref<300xf32, #tpu.memory_space<vmem>>) target_semaphore(%arg8 : memref<!tpu.dma_semaphore, #tpu.memory_space<semaphore_mem>>)
        %slice3A_290 = vector.extract_strided_slice %get3A_52 {offsets = [15], sizes = [1], strides = [1]} : vector<16xi32> to vector<1xi32>
        %squeeze3A_291 = vector.extract %slice3A_290[0] : i32 from vector<1xi32>
        %add3A_292 = arith.constant 15 : i32
        %add3A_293 = arith.addi %add3A_47, %add3A_292 : i32
        %dma_start3A_294 = arith.constant 0 : i32
        %dma_start3A_295 = tpu.memref_slice %arg6[%add3A_293, %dma_start3A_294] : memref<128x300xf32, #tpu.memory_space<vmem>> -> memref<1x300xf32, #tpu.memory_space<vmem>>
        %dma_start3A_296 = tpu.memref_squeeze %dma_start3A_295 : memref<1x300xf32, #tpu.memory_space<vmem>> -> memref<300xf32, #tpu.memory_space<vmem>>
        %dma_start3A_297 = arith.constant 0 : i32
        %dma_start3A_298 = tpu.memref_slice %arg2[%squeeze3A_291, %dma_start3A_297] : memref<100000x300xf32, #tpu.memory_space<hbm>> -> memref<1x300xf32, #tpu.memory_space<hbm>>
        %dma_start3A_299 = tpu.memref_squeeze %dma_start3A_298 : memref<1x300xf32, #tpu.memory_space<hbm>> -> memref<300xf32, #tpu.memory_space<hbm>>
        %dma_start3A_300 = arith.constant 0 : i32
        %dma_start3A_301 = tpu.memref_slice %arg6[%add3A_293, %dma_start3A_300] : memref<128x300xf32, #tpu.memory_space<vmem>> -> memref<1x300xf32, #tpu.memory_space<vmem>>
        %dma_start3A_302 = tpu.memref_squeeze %dma_start3A_301 : memref<1x300xf32, #tpu.memory_space<vmem>> -> memref<300xf32, #tpu.memory_space<vmem>>
        %dma_start3A_303 = arith.constant 0 : i32
        %dma_start3A_304 = tpu.memref_slice %arg2[%squeeze3A_291, %dma_start3A_303] : memref<100000x300xf32, #tpu.memory_space<hbm>> -> memref<1x300xf32, #tpu.memory_space<hbm>>
        %dma_start3A_305 = tpu.memref_squeeze %dma_start3A_304 : memref<1x300xf32, #tpu.memory_space<hbm>> -> memref<300xf32, #tpu.memory_space<hbm>>
        tpu.enqueue_dma source(%dma_start3A_305 : memref<300xf32, #tpu.memory_space<hbm>>) target(%dma_start3A_302 : memref<300xf32, #tpu.memory_space<vmem>>) target_semaphore(%arg8 : memref<!tpu.dma_semaphore, #tpu.memory_space<semaphore_mem>>)
      }
      %scan3A_16 = arith.constant 8 : i32
      %add3A_17 = arith.constant 1 : i32
      %add3A_18 = arith.addi %add3A_11, %add3A_17 : i32
      %scan3A_19 = arith.constant 0 : i32
      %scan3A_20 = arith.constant 8 : i32
      %scan3A_21 = arith.addi %scan3A_19, %scan3A_20 : i32
      %scan3A_22 = arith.constant 1 : i32
      scf.for %scan3A_43 = %scan3A_19 to %scan3A_21 step %scan3A_22  : i32 {
        %mul3A_44 = arith.constant 16 : i32
        %mul3A_45 = arith.muli %scan3A_43, %mul3A_44 : i32
        %add3A_46 = arith.constant 0 : i32
        %add3A_47 = arith.addi %add3A_46, %mul3A_45 : i32
        %mul3A_48 = arith.constant 128 : i32
        %mul3A_49 = arith.muli %add3A_18, %mul3A_48 : i32
        %add3A_50 = arith.addi %mul3A_49, %add3A_47 : i32
        %get3A = arith.index_cast %add3A_50 : i32 to index
        %get3A_51 = tpu.vector_load %arg5[%get3A] {strides = array<i32>} : memref<6400xi32, #tpu.memory_space<vmem>>, vector<16xi32>,
        %get3A_52 = vector.shape_cast %get3A_51 : vector<16xi32> to vector<16xi32>
        %slice3A = vector.extract_strided_slice %get3A_52 {offsets = [0], sizes = [1], strides = [1]} : vector<16xi32> to vector<1xi32>
        %squeeze3A = vector.extract %slice3A[0] : i32 from vector<1xi32>
        %add3A_53 = arith.constant 0 : i32
        %add3A_54 = arith.addi %add3A_47, %add3A_53 : i32
        %dma_start3A = arith.constant 0 : i32
        %dma_start3A_55 = tpu.memref_slice %arg7[%add3A_54, %dma_start3A] : memref<128x300xf32, #tpu.memory_space<vmem>> -> memref<1x300xf32, #tpu.memory_space<vmem>>
        %dma_start3A_56 = tpu.memref_squeeze %dma_start3A_55 : memref<1x300xf32, #tpu.memory_space<vmem>> -> memref<300xf32, #tpu.memory_space<vmem>>
        %dma_start3A_57 = arith.constant 0 : i32
        %dma_start3A_58 = tpu.memref_slice %arg2[%squeeze3A, %dma_start3A_57] : memref<100000x300xf32, #tpu.memory_space<hbm>> -> memref<1x300xf32, #tpu.memory_space<hbm>>
        %dma_start3A_59 = tpu.memref_squeeze %dma_start3A_58 : memref<1x300xf32, #tpu.memory_space<hbm>> -> memref<300xf32, #tpu.memory_space<hbm>>
        %dma_start3A_60 = arith.constant 0 : i32
        %dma_start3A_61 = tpu.memref_slice %arg7[%add3A_54, %dma_start3A_60] : memref<128x300xf32, #tpu.memory_space<vmem>> -> memref<1x300xf32, #tpu.memory_space<vmem>>
        %dma_start3A_62 = tpu.memref_squeeze %dma_start3A_61 : memref<1x300xf32, #tpu.memory_space<vmem>> -> memref<300xf32, #tpu.memory_space<vmem>>
        %dma_start3A_63 = arith.constant 0 : i32
        %dma_start3A_64 = tpu.memref_slice %arg2[%squeeze3A, %dma_start3A_63] : memref<100000x300xf32, #tpu.memory_space<hbm>> -> memref<1x300xf32, #tpu.memory_space<hbm>>
        %dma_start3A_65 = tpu.memref_squeeze %dma_start3A_64 : memref<1x300xf32, #tpu.memory_space<hbm>> -> memref<300xf32, #tpu.memory_space<hbm>>
        tpu.enqueue_dma source(%dma_start3A_65 : memref<300xf32, #tpu.memory_space<hbm>>) target(%dma_start3A_62 : memref<300xf32, #tpu.memory_space<vmem>>) target_semaphore(%arg9 : memref<!tpu.dma_semaphore, #tpu.memory_space<semaphore_mem>>)
        %slice3A_66 = vector.extract_strided_slice %get3A_52 {offsets = [1], sizes = [1], strides = [1]} : vector<16xi32> to vector<1xi32>
        %squeeze3A_67 = vector.extract %slice3A_66[0] : i32 from vector<1xi32>
        %add3A_68 = arith.constant 1 : i32
        %add3A_69 = arith.addi %add3A_47, %add3A_68 : i32
        %dma_start3A_70 = arith.constant 0 : i32
        %dma_start3A_71 = tpu.memref_slice %arg7[%add3A_69, %dma_start3A_70] : memref<128x300xf32, #tpu.memory_space<vmem>> -> memref<1x300xf32, #tpu.memory_space<vmem>>
        %dma_start3A_72 = tpu.memref_squeeze %dma_start3A_71 : memref<1x300xf32, #tpu.memory_space<vmem>> -> memref<300xf32, #tpu.memory_space<vmem>>
        %dma_start3A_73 = arith.constant 0 : i32
        %dma_start3A_74 = tpu.memref_slice %arg2[%squeeze3A_67, %dma_start3A_73] : memref<100000x300xf32, #tpu.memory_space<hbm>> -> memref<1x300xf32, #tpu.memory_space<hbm>>
        %dma_start3A_75 = tpu.memref_squeeze %dma_start3A_74 : memref<1x300xf32, #tpu.memory_space<hbm>> -> memref<300xf32, #tpu.memory_space<hbm>>
        %dma_start3A_76 = arith.constant 0 : i32
        %dma_start3A_77 = tpu.memref_slice %arg7[%add3A_69, %dma_start3A_76] : memref<128x300xf32, #tpu.memory_space<vmem>> -> memref<1x300xf32, #tpu.memory_space<vmem>>
        %dma_start3A_78 = tpu.memref_squeeze %dma_start3A_77 : memref<1x300xf32, #tpu.memory_space<vmem>> -> memref<300xf32, #tpu.memory_space<vmem>>
        %dma_start3A_79 = arith.constant 0 : i32
        %dma_start3A_80 = tpu.memref_slice %arg2[%squeeze3A_67, %dma_start3A_79] : memref<100000x300xf32, #tpu.memory_space<hbm>> -> memref<1x300xf32, #tpu.memory_space<hbm>>
        %dma_start3A_81 = tpu.memref_squeeze %dma_start3A_80 : memref<1x300xf32, #tpu.memory_space<hbm>> -> memref<300xf32, #tpu.memory_space<hbm>>
        tpu.enqueue_dma source(%dma_start3A_81 : memref<300xf32, #tpu.memory_space<hbm>>) target(%dma_start3A_78 : memref<300xf32, #tpu.memory_space<vmem>>) target_semaphore(%arg9 : memref<!tpu.dma_semaphore, #tpu.memory_space<semaphore_mem>>)
        %slice3A_82 = vector.extract_strided_slice %get3A_52 {offsets = [2], sizes = [1], strides = [1]} : vector<16xi32> to vector<1xi32>
        %squeeze3A_83 = vector.extract %slice3A_82[0] : i32 from vector<1xi32>
        %add3A_84 = arith.constant 2 : i32
        %add3A_85 = arith.addi %add3A_47, %add3A_84 : i32
        %dma_start3A_86 = arith.constant 0 : i32
        %dma_start3A_87 = tpu.memref_slice %arg7[%add3A_85, %dma_start3A_86] : memref<128x300xf32, #tpu.memory_space<vmem>> -> memref<1x300xf32, #tpu.memory_space<vmem>>
        %dma_start3A_88 = tpu.memref_squeeze %dma_start3A_87 : memref<1x300xf32, #tpu.memory_space<vmem>> -> memref<300xf32, #tpu.memory_space<vmem>>
        %dma_start3A_89 = arith.constant 0 : i32
        %dma_start3A_90 = tpu.memref_slice %arg2[%squeeze3A_83, %dma_start3A_89] : memref<100000x300xf32, #tpu.memory_space<hbm>> -> memref<1x300xf32, #tpu.memory_space<hbm>>
        %dma_start3A_91 = tpu.memref_squeeze %dma_start3A_90 : memref<1x300xf32, #tpu.memory_space<hbm>> -> memref<300xf32, #tpu.memory_space<hbm>>
        %dma_start3A_92 = arith.constant 0 : i32
        %dma_start3A_93 = tpu.memref_slice %arg7[%add3A_85, %dma_start3A_92] : memref<128x300xf32, #tpu.memory_space<vmem>> -> memref<1x300xf32, #tpu.memory_space<vmem>>
        %dma_start3A_94 = tpu.memref_squeeze %dma_start3A_93 : memref<1x300xf32, #tpu.memory_space<vmem>> -> memref<300xf32, #tpu.memory_space<vmem>>
        %dma_start3A_95 = arith.constant 0 : i32
        %dma_start3A_96 = tpu.memref_slice %arg2[%squeeze3A_83, %dma_start3A_95] : memref<100000x300xf32, #tpu.memory_space<hbm>> -> memref<1x300xf32, #tpu.memory_space<hbm>>
        %dma_start3A_97 = tpu.memref_squeeze %dma_start3A_96 : memref<1x300xf32, #tpu.memory_space<hbm>> -> memref<300xf32, #tpu.memory_space<hbm>>
        tpu.enqueue_dma source(%dma_start3A_97 : memref<300xf32, #tpu.memory_space<hbm>>) target(%dma_start3A_94 : memref<300xf32, #tpu.memory_space<vmem>>) target_semaphore(%arg9 : memref<!tpu.dma_semaphore, #tpu.memory_space<semaphore_mem>>)
        %slice3A_98 = vector.extract_strided_slice %get3A_52 {offsets = [3], sizes = [1], strides = [1]} : vector<16xi32> to vector<1xi32>
        %squeeze3A_99 = vector.extract %slice3A_98[0] : i32 from vector<1xi32>
        %add3A_100 = arith.constant 3 : i32
        %add3A_101 = arith.addi %add3A_47, %add3A_100 : i32
        %dma_start3A_102 = arith.constant 0 : i32
        %dma_start3A_103 = tpu.memref_slice %arg7[%add3A_101, %dma_start3A_102] : memref<128x300xf32, #tpu.memory_space<vmem>> -> memref<1x300xf32, #tpu.memory_space<vmem>>
        %dma_start3A_104 = tpu.memref_squeeze %dma_start3A_103 : memref<1x300xf32, #tpu.memory_space<vmem>> -> memref<300xf32, #tpu.memory_space<vmem>>
        %dma_start3A_105 = arith.constant 0 : i32
        %dma_start3A_106 = tpu.memref_slice %arg2[%squeeze3A_99, %dma_start3A_105] : memref<100000x300xf32, #tpu.memory_space<hbm>> -> memref<1x300xf32, #tpu.memory_space<hbm>>
        %dma_start3A_107 = tpu.memref_squeeze %dma_start3A_106 : memref<1x300xf32, #tpu.memory_space<hbm>> -> memref<300xf32, #tpu.memory_space<hbm>>
        %dma_start3A_108 = arith.constant 0 : i32
        %dma_start3A_109 = tpu.memref_slice %arg7[%add3A_101, %dma_start3A_108] : memref<128x300xf32, #tpu.memory_space<vmem>> -> memref<1x300xf32, #tpu.memory_space<vmem>>
        %dma_start3A_110 = tpu.memref_squeeze %dma_start3A_109 : memref<1x300xf32, #tpu.memory_space<vmem>> -> memref<300xf32, #tpu.memory_space<vmem>>
        %dma_start3A_111 = arith.constant 0 : i32
        %dma_start3A_112 = tpu.memref_slice %arg2[%squeeze3A_99, %dma_start3A_111] : memref<100000x300xf32, #tpu.memory_space<hbm>> -> memref<1x300xf32, #tpu.memory_space<hbm>>
        %dma_start3A_113 = tpu.memref_squeeze %dma_start3A_112 : memref<1x300xf32, #tpu.memory_space<hbm>> -> memref<300xf32, #tpu.memory_space<hbm>>
        tpu.enqueue_dma source(%dma_start3A_113 : memref<300xf32, #tpu.memory_space<hbm>>) target(%dma_start3A_110 : memref<300xf32, #tpu.memory_space<vmem>>) target_semaphore(%arg9 : memref<!tpu.dma_semaphore, #tpu.memory_space<semaphore_mem>>)
        %slice3A_114 = vector.extract_strided_slice %get3A_52 {offsets = [4], sizes = [1], strides = [1]} : vector<16xi32> to vector<1xi32>
        %squeeze3A_115 = vector.extract %slice3A_114[0] : i32 from vector<1xi32>
        %add3A_116 = arith.constant 4 : i32
        %add3A_117 = arith.addi %add3A_47, %add3A_116 : i32
        %dma_start3A_118 = arith.constant 0 : i32
        %dma_start3A_119 = tpu.memref_slice %arg7[%add3A_117, %dma_start3A_118] : memref<128x300xf32, #tpu.memory_space<vmem>> -> memref<1x300xf32, #tpu.memory_space<vmem>>
        %dma_start3A_120 = tpu.memref_squeeze %dma_start3A_119 : memref<1x300xf32, #tpu.memory_space<vmem>> -> memref<300xf32, #tpu.memory_space<vmem>>
        %dma_start3A_121 = arith.constant 0 : i32
        %dma_start3A_122 = tpu.memref_slice %arg2[%squeeze3A_115, %dma_start3A_121] : memref<100000x300xf32, #tpu.memory_space<hbm>> -> memref<1x300xf32, #tpu.memory_space<hbm>>
        %dma_start3A_123 = tpu.memref_squeeze %dma_start3A_122 : memref<1x300xf32, #tpu.memory_space<hbm>> -> memref<300xf32, #tpu.memory_space<hbm>>
        %dma_start3A_124 = arith.constant 0 : i32
        %dma_start3A_125 = tpu.memref_slice %arg7[%add3A_117, %dma_start3A_124] : memref<128x300xf32, #tpu.memory_space<vmem>> -> memref<1x300xf32, #tpu.memory_space<vmem>>
        %dma_start3A_126 = tpu.memref_squeeze %dma_start3A_125 : memref<1x300xf32, #tpu.memory_space<vmem>> -> memref<300xf32, #tpu.memory_space<vmem>>
        %dma_start3A_127 = arith.constant 0 : i32
        %dma_start3A_128 = tpu.memref_slice %arg2[%squeeze3A_115, %dma_start3A_127] : memref<100000x300xf32, #tpu.memory_space<hbm>> -> memref<1x300xf32, #tpu.memory_space<hbm>>
        %dma_start3A_129 = tpu.memref_squeeze %dma_start3A_128 : memref<1x300xf32, #tpu.memory_space<hbm>> -> memref<300xf32, #tpu.memory_space<hbm>>
        tpu.enqueue_dma source(%dma_start3A_129 : memref<300xf32, #tpu.memory_space<hbm>>) target(%dma_start3A_126 : memref<300xf32, #tpu.memory_space<vmem>>) target_semaphore(%arg9 : memref<!tpu.dma_semaphore, #tpu.memory_space<semaphore_mem>>)
        %slice3A_130 = vector.extract_strided_slice %get3A_52 {offsets = [5], sizes = [1], strides = [1]} : vector<16xi32> to vector<1xi32>
        %squeeze3A_131 = vector.extract %slice3A_130[0] : i32 from vector<1xi32>
        %add3A_132 = arith.constant 5 : i32
        %add3A_133 = arith.addi %add3A_47, %add3A_132 : i32
        %dma_start3A_134 = arith.constant 0 : i32
        %dma_start3A_135 = tpu.memref_slice %arg7[%add3A_133, %dma_start3A_134] : memref<128x300xf32, #tpu.memory_space<vmem>> -> memref<1x300xf32, #tpu.memory_space<vmem>>
        %dma_start3A_136 = tpu.memref_squeeze %dma_start3A_135 : memref<1x300xf32, #tpu.memory_space<vmem>> -> memref<300xf32, #tpu.memory_space<vmem>>
        %dma_start3A_137 = arith.constant 0 : i32
        %dma_start3A_138 = tpu.memref_slice %arg2[%squeeze3A_131, %dma_start3A_137] : memref<100000x300xf32, #tpu.memory_space<hbm>> -> memref<1x300xf32, #tpu.memory_space<hbm>>
        %dma_start3A_139 = tpu.memref_squeeze %dma_start3A_138 : memref<1x300xf32, #tpu.memory_space<hbm>> -> memref<300xf32, #tpu.memory_space<hbm>>
        %dma_start3A_140 = arith.constant 0 : i32
        %dma_start3A_141 = tpu.memref_slice %arg7[%add3A_133, %dma_start3A_140] : memref<128x300xf32, #tpu.memory_space<vmem>> -> memref<1x300xf32, #tpu.memory_space<vmem>>
        %dma_start3A_142 = tpu.memref_squeeze %dma_start3A_141 : memref<1x300xf32, #tpu.memory_space<vmem>> -> memref<300xf32, #tpu.memory_space<vmem>>
        %dma_start3A_143 = arith.constant 0 : i32
        %dma_start3A_144 = tpu.memref_slice %arg2[%squeeze3A_131, %dma_start3A_143] : memref<100000x300xf32, #tpu.memory_space<hbm>> -> memref<1x300xf32, #tpu.memory_space<hbm>>
        %dma_start3A_145 = tpu.memref_squeeze %dma_start3A_144 : memref<1x300xf32, #tpu.memory_space<hbm>> -> memref<300xf32, #tpu.memory_space<hbm>>
        tpu.enqueue_dma source(%dma_start3A_145 : memref<300xf32, #tpu.memory_space<hbm>>) target(%dma_start3A_142 : memref<300xf32, #tpu.memory_space<vmem>>) target_semaphore(%arg9 : memref<!tpu.dma_semaphore, #tpu.memory_space<semaphore_mem>>)
        %slice3A_146 = vector.extract_strided_slice %get3A_52 {offsets = [6], sizes = [1], strides = [1]} : vector<16xi32> to vector<1xi32>
        %squeeze3A_147 = vector.extract %slice3A_146[0] : i32 from vector<1xi32>
        %add3A_148 = arith.constant 6 : i32
        %add3A_149 = arith.addi %add3A_47, %add3A_148 : i32
        %dma_start3A_150 = arith.constant 0 : i32
        %dma_start3A_151 = tpu.memref_slice %arg7[%add3A_149, %dma_start3A_150] : memref<128x300xf32, #tpu.memory_space<vmem>> -> memref<1x300xf32, #tpu.memory_space<vmem>>
        %dma_start3A_152 = tpu.memref_squeeze %dma_start3A_151 : memref<1x300xf32, #tpu.memory_space<vmem>> -> memref<300xf32, #tpu.memory_space<vmem>>
        %dma_start3A_153 = arith.constant 0 : i32
        %dma_start3A_154 = tpu.memref_slice %arg2[%squeeze3A_147, %dma_start3A_153] : memref<100000x300xf32, #tpu.memory_space<hbm>> -> memref<1x300xf32, #tpu.memory_space<hbm>>
        %dma_start3A_155 = tpu.memref_squeeze %dma_start3A_154 : memref<1x300xf32, #tpu.memory_space<hbm>> -> memref<300xf32, #tpu.memory_space<hbm>>
        %dma_start3A_156 = arith.constant 0 : i32
        %dma_start3A_157 = tpu.memref_slice %arg7[%add3A_149, %dma_start3A_156] : memref<128x300xf32, #tpu.memory_space<vmem>> -> memref<1x300xf32, #tpu.memory_space<vmem>>
        %dma_start3A_158 = tpu.memref_squeeze %dma_start3A_157 : memref<1x300xf32, #tpu.memory_space<vmem>> -> memref<300xf32, #tpu.memory_space<vmem>>
        %dma_start3A_159 = arith.constant 0 : i32
        %dma_start3A_160 = tpu.memref_slice %arg2[%squeeze3A_147, %dma_start3A_159] : memref<100000x300xf32, #tpu.memory_space<hbm>> -> memref<1x300xf32, #tpu.memory_space<hbm>>
        %dma_start3A_161 = tpu.memref_squeeze %dma_start3A_160 : memref<1x300xf32, #tpu.memory_space<hbm>> -> memref<300xf32, #tpu.memory_space<hbm>>
        tpu.enqueue_dma source(%dma_start3A_161 : memref<300xf32, #tpu.memory_space<hbm>>) target(%dma_start3A_158 : memref<300xf32, #tpu.memory_space<vmem>>) target_semaphore(%arg9 : memref<!tpu.dma_semaphore, #tpu.memory_space<semaphore_mem>>)
        %slice3A_162 = vector.extract_strided_slice %get3A_52 {offsets = [7], sizes = [1], strides = [1]} : vector<16xi32> to vector<1xi32>
        %squeeze3A_163 = vector.extract %slice3A_162[0] : i32 from vector<1xi32>
        %add3A_164 = arith.constant 7 : i32
        %add3A_165 = arith.addi %add3A_47, %add3A_164 : i32
        %dma_start3A_166 = arith.constant 0 : i32
        %dma_start3A_167 = tpu.memref_slice %arg7[%add3A_165, %dma_start3A_166] : memref<128x300xf32, #tpu.memory_space<vmem>> -> memref<1x300xf32, #tpu.memory_space<vmem>>
        %dma_start3A_168 = tpu.memref_squeeze %dma_start3A_167 : memref<1x300xf32, #tpu.memory_space<vmem>> -> memref<300xf32, #tpu.memory_space<vmem>>
        %dma_start3A_169 = arith.constant 0 : i32
        %dma_start3A_170 = tpu.memref_slice %arg2[%squeeze3A_163, %dma_start3A_169] : memref<100000x300xf32, #tpu.memory_space<hbm>> -> memref<1x300xf32, #tpu.memory_space<hbm>>
        %dma_start3A_171 = tpu.memref_squeeze %dma_start3A_170 : memref<1x300xf32, #tpu.memory_space<hbm>> -> memref<300xf32, #tpu.memory_space<hbm>>
        %dma_start3A_172 = arith.constant 0 : i32
        %dma_start3A_173 = tpu.memref_slice %arg7[%add3A_165, %dma_start3A_172] : memref<128x300xf32, #tpu.memory_space<vmem>> -> memref<1x300xf32, #tpu.memory_space<vmem>>
        %dma_start3A_174 = tpu.memref_squeeze %dma_start3A_173 : memref<1x300xf32, #tpu.memory_space<vmem>> -> memref<300xf32, #tpu.memory_space<vmem>>
        %dma_start3A_175 = arith.constant 0 : i32
        %dma_start3A_176 = tpu.memref_slice %arg2[%squeeze3A_163, %dma_start3A_175] : memref<100000x300xf32, #tpu.memory_space<hbm>> -> memref<1x300xf32, #tpu.memory_space<hbm>>
        %dma_start3A_177 = tpu.memref_squeeze %dma_start3A_176 : memref<1x300xf32, #tpu.memory_space<hbm>> -> memref<300xf32, #tpu.memory_space<hbm>>
        tpu.enqueue_dma source(%dma_start3A_177 : memref<300xf32, #tpu.memory_space<hbm>>) target(%dma_start3A_174 : memref<300xf32, #tpu.memory_space<vmem>>) target_semaphore(%arg9 : memref<!tpu.dma_semaphore, #tpu.memory_space<semaphore_mem>>)
        %slice3A_178 = vector.extract_strided_slice %get3A_52 {offsets = [8], sizes = [1], strides = [1]} : vector<16xi32> to vector<1xi32>
        %squeeze3A_179 = vector.extract %slice3A_178[0] : i32 from vector<1xi32>
        %add3A_180 = arith.constant 8 : i32
        %add3A_181 = arith.addi %add3A_47, %add3A_180 : i32
        %dma_start3A_182 = arith.constant 0 : i32
        %dma_start3A_183 = tpu.memref_slice %arg7[%add3A_181, %dma_start3A_182] : memref<128x300xf32, #tpu.memory_space<vmem>> -> memref<1x300xf32, #tpu.memory_space<vmem>>
        %dma_start3A_184 = tpu.memref_squeeze %dma_start3A_183 : memref<1x300xf32, #tpu.memory_space<vmem>> -> memref<300xf32, #tpu.memory_space<vmem>>
        %dma_start3A_185 = arith.constant 0 : i32
        %dma_start3A_186 = tpu.memref_slice %arg2[%squeeze3A_179, %dma_start3A_185] : memref<100000x300xf32, #tpu.memory_space<hbm>> -> memref<1x300xf32, #tpu.memory_space<hbm>>
        %dma_start3A_187 = tpu.memref_squeeze %dma_start3A_186 : memref<1x300xf32, #tpu.memory_space<hbm>> -> memref<300xf32, #tpu.memory_space<hbm>>
        %dma_start3A_188 = arith.constant 0 : i32
        %dma_start3A_189 = tpu.memref_slice %arg7[%add3A_181, %dma_start3A_188] : memref<128x300xf32, #tpu.memory_space<vmem>> -> memref<1x300xf32, #tpu.memory_space<vmem>>
        %dma_start3A_190 = tpu.memref_squeeze %dma_start3A_189 : memref<1x300xf32, #tpu.memory_space<vmem>> -> memref<300xf32, #tpu.memory_space<vmem>>
        %dma_start3A_191 = arith.constant 0 : i32
        %dma_start3A_192 = tpu.memref_slice %arg2[%squeeze3A_179, %dma_start3A_191] : memref<100000x300xf32, #tpu.memory_space<hbm>> -> memref<1x300xf32, #tpu.memory_space<hbm>>
        %dma_start3A_193 = tpu.memref_squeeze %dma_start3A_192 : memref<1x300xf32, #tpu.memory_space<hbm>> -> memref<300xf32, #tpu.memory_space<hbm>>
        tpu.enqueue_dma source(%dma_start3A_193 : memref<300xf32, #tpu.memory_space<hbm>>) target(%dma_start3A_190 : memref<300xf32, #tpu.memory_space<vmem>>) target_semaphore(%arg9 : memref<!tpu.dma_semaphore, #tpu.memory_space<semaphore_mem>>)
        %slice3A_194 = vector.extract_strided_slice %get3A_52 {offsets = [9], sizes = [1], strides = [1]} : vector<16xi32> to vector<1xi32>
        %squeeze3A_195 = vector.extract %slice3A_194[0] : i32 from vector<1xi32>
        %add3A_196 = arith.constant 9 : i32
        %add3A_197 = arith.addi %add3A_47, %add3A_196 : i32
        %dma_start3A_198 = arith.constant 0 : i32
        %dma_start3A_199 = tpu.memref_slice %arg7[%add3A_197, %dma_start3A_198] : memref<128x300xf32, #tpu.memory_space<vmem>> -> memref<1x300xf32, #tpu.memory_space<vmem>>
        %dma_start3A_200 = tpu.memref_squeeze %dma_start3A_199 : memref<1x300xf32, #tpu.memory_space<vmem>> -> memref<300xf32, #tpu.memory_space<vmem>>
        %dma_start3A_201 = arith.constant 0 : i32
        %dma_start3A_202 = tpu.memref_slice %arg2[%squeeze3A_195, %dma_start3A_201] : memref<100000x300xf32, #tpu.memory_space<hbm>> -> memref<1x300xf32, #tpu.memory_space<hbm>>
        %dma_start3A_203 = tpu.memref_squeeze %dma_start3A_202 : memref<1x300xf32, #tpu.memory_space<hbm>> -> memref<300xf32, #tpu.memory_space<hbm>>
        %dma_start3A_204 = arith.constant 0 : i32
        %dma_start3A_205 = tpu.memref_slice %arg7[%add3A_197, %dma_start3A_204] : memref<128x300xf32, #tpu.memory_space<vmem>> -> memref<1x300xf32, #tpu.memory_space<vmem>>
        %dma_start3A_206 = tpu.memref_squeeze %dma_start3A_205 : memref<1x300xf32, #tpu.memory_space<vmem>> -> memref<300xf32, #tpu.memory_space<vmem>>
        %dma_start3A_207 = arith.constant 0 : i32
        %dma_start3A_208 = tpu.memref_slice %arg2[%squeeze3A_195, %dma_start3A_207] : memref<100000x300xf32, #tpu.memory_space<hbm>> -> memref<1x300xf32, #tpu.memory_space<hbm>>
        %dma_start3A_209 = tpu.memref_squeeze %dma_start3A_208 : memref<1x300xf32, #tpu.memory_space<hbm>> -> memref<300xf32, #tpu.memory_space<hbm>>
        tpu.enqueue_dma source(%dma_start3A_209 : memref<300xf32, #tpu.memory_space<hbm>>) target(%dma_start3A_206 : memref<300xf32, #tpu.memory_space<vmem>>) target_semaphore(%arg9 : memref<!tpu.dma_semaphore, #tpu.memory_space<semaphore_mem>>)
        %slice3A_210 = vector.extract_strided_slice %get3A_52 {offsets = [10], sizes = [1], strides = [1]} : vector<16xi32> to vector<1xi32>
        %squeeze3A_211 = vector.extract %slice3A_210[0] : i32 from vector<1xi32>
        %add3A_212 = arith.constant 10 : i32
        %add3A_213 = arith.addi %add3A_47, %add3A_212 : i32
        %dma_start3A_214 = arith.constant 0 : i32
        %dma_start3A_215 = tpu.memref_slice %arg7[%add3A_213, %dma_start3A_214] : memref<128x300xf32, #tpu.memory_space<vmem>> -> memref<1x300xf32, #tpu.memory_space<vmem>>
        %dma_start3A_216 = tpu.memref_squeeze %dma_start3A_215 : memref<1x300xf32, #tpu.memory_space<vmem>> -> memref<300xf32, #tpu.memory_space<vmem>>
        %dma_start3A_217 = arith.constant 0 : i32
        %dma_start3A_218 = tpu.memref_slice %arg2[%squeeze3A_211, %dma_start3A_217] : memref<100000x300xf32, #tpu.memory_space<hbm>> -> memref<1x300xf32, #tpu.memory_space<hbm>>
        %dma_start3A_219 = tpu.memref_squeeze %dma_start3A_218 : memref<1x300xf32, #tpu.memory_space<hbm>> -> memref<300xf32, #tpu.memory_space<hbm>>
        %dma_start3A_220 = arith.constant 0 : i32
        %dma_start3A_221 = tpu.memref_slice %arg7[%add3A_213, %dma_start3A_220] : memref<128x300xf32, #tpu.memory_space<vmem>> -> memref<1x300xf32, #tpu.memory_space<vmem>>
        %dma_start3A_222 = tpu.memref_squeeze %dma_start3A_221 : memref<1x300xf32, #tpu.memory_space<vmem>> -> memref<300xf32, #tpu.memory_space<vmem>>
        %dma_start3A_223 = arith.constant 0 : i32
        %dma_start3A_224 = tpu.memref_slice %arg2[%squeeze3A_211, %dma_start3A_223] : memref<100000x300xf32, #tpu.memory_space<hbm>> -> memref<1x300xf32, #tpu.memory_space<hbm>>
        %dma_start3A_225 = tpu.memref_squeeze %dma_start3A_224 : memref<1x300xf32, #tpu.memory_space<hbm>> -> memref<300xf32, #tpu.memory_space<hbm>>
        tpu.enqueue_dma source(%dma_start3A_225 : memref<300xf32, #tpu.memory_space<hbm>>) target(%dma_start3A_222 : memref<300xf32, #tpu.memory_space<vmem>>) target_semaphore(%arg9 : memref<!tpu.dma_semaphore, #tpu.memory_space<semaphore_mem>>)
        %slice3A_226 = vector.extract_strided_slice %get3A_52 {offsets = [11], sizes = [1], strides = [1]} : vector<16xi32> to vector<1xi32>
        %squeeze3A_227 = vector.extract %slice3A_226[0] : i32 from vector<1xi32>
        %add3A_228 = arith.constant 11 : i32
        %add3A_229 = arith.addi %add3A_47, %add3A_228 : i32
        %dma_start3A_230 = arith.constant 0 : i32
        %dma_start3A_231 = tpu.memref_slice %arg7[%add3A_229, %dma_start3A_230] : memref<128x300xf32, #tpu.memory_space<vmem>> -> memref<1x300xf32, #tpu.memory_space<vmem>>
        %dma_start3A_232 = tpu.memref_squeeze %dma_start3A_231 : memref<1x300xf32, #tpu.memory_space<vmem>> -> memref<300xf32, #tpu.memory_space<vmem>>
        %dma_start3A_233 = arith.constant 0 : i32
        %dma_start3A_234 = tpu.memref_slice %arg2[%squeeze3A_227, %dma_start3A_233] : memref<100000x300xf32, #tpu.memory_space<hbm>> -> memref<1x300xf32, #tpu.memory_space<hbm>>
        %dma_start3A_235 = tpu.memref_squeeze %dma_start3A_234 : memref<1x300xf32, #tpu.memory_space<hbm>> -> memref<300xf32, #tpu.memory_space<hbm>>
        %dma_start3A_236 = arith.constant 0 : i32
        %dma_start3A_237 = tpu.memref_slice %arg7[%add3A_229, %dma_start3A_236] : memref<128x300xf32, #tpu.memory_space<vmem>> -> memref<1x300xf32, #tpu.memory_space<vmem>>
        %dma_start3A_238 = tpu.memref_squeeze %dma_start3A_237 : memref<1x300xf32, #tpu.memory_space<vmem>> -> memref<300xf32, #tpu.memory_space<vmem>>
        %dma_start3A_239 = arith.constant 0 : i32
        %dma_start3A_240 = tpu.memref_slice %arg2[%squeeze3A_227, %dma_start3A_239] : memref<100000x300xf32, #tpu.memory_space<hbm>> -> memref<1x300xf32, #tpu.memory_space<hbm>>
        %dma_start3A_241 = tpu.memref_squeeze %dma_start3A_240 : memref<1x300xf32, #tpu.memory_space<hbm>> -> memref<300xf32, #tpu.memory_space<hbm>>
        tpu.enqueue_dma source(%dma_start3A_241 : memref<300xf32, #tpu.memory_space<hbm>>) target(%dma_start3A_238 : memref<300xf32, #tpu.memory_space<vmem>>) target_semaphore(%arg9 : memref<!tpu.dma_semaphore, #tpu.memory_space<semaphore_mem>>)
        %slice3A_242 = vector.extract_strided_slice %get3A_52 {offsets = [12], sizes = [1], strides = [1]} : vector<16xi32> to vector<1xi32>
        %squeeze3A_243 = vector.extract %slice3A_242[0] : i32 from vector<1xi32>
        %add3A_244 = arith.constant 12 : i32
        %add3A_245 = arith.addi %add3A_47, %add3A_244 : i32
        %dma_start3A_246 = arith.constant 0 : i32
        %dma_start3A_247 = tpu.memref_slice %arg7[%add3A_245, %dma_start3A_246] : memref<128x300xf32, #tpu.memory_space<vmem>> -> memref<1x300xf32, #tpu.memory_space<vmem>>
        %dma_start3A_248 = tpu.memref_squeeze %dma_start3A_247 : memref<1x300xf32, #tpu.memory_space<vmem>> -> memref<300xf32, #tpu.memory_space<vmem>>
        %dma_start3A_249 = arith.constant 0 : i32
        %dma_start3A_250 = tpu.memref_slice %arg2[%squeeze3A_243, %dma_start3A_249] : memref<100000x300xf32, #tpu.memory_space<hbm>> -> memref<1x300xf32, #tpu.memory_space<hbm>>
        %dma_start3A_251 = tpu.memref_squeeze %dma_start3A_250 : memref<1x300xf32, #tpu.memory_space<hbm>> -> memref<300xf32, #tpu.memory_space<hbm>>
        %dma_start3A_252 = arith.constant 0 : i32
        %dma_start3A_253 = tpu.memref_slice %arg7[%add3A_245, %dma_start3A_252] : memref<128x300xf32, #tpu.memory_space<vmem>> -> memref<1x300xf32, #tpu.memory_space<vmem>>
        %dma_start3A_254 = tpu.memref_squeeze %dma_start3A_253 : memref<1x300xf32, #tpu.memory_space<vmem>> -> memref<300xf32, #tpu.memory_space<vmem>>
        %dma_start3A_255 = arith.constant 0 : i32
        %dma_start3A_256 = tpu.memref_slice %arg2[%squeeze3A_243, %dma_start3A_255] : memref<100000x300xf32, #tpu.memory_space<hbm>> -> memref<1x300xf32, #tpu.memory_space<hbm>>
        %dma_start3A_257 = tpu.memref_squeeze %dma_start3A_256 : memref<1x300xf32, #tpu.memory_space<hbm>> -> memref<300xf32, #tpu.memory_space<hbm>>
        tpu.enqueue_dma source(%dma_start3A_257 : memref<300xf32, #tpu.memory_space<hbm>>) target(%dma_start3A_254 : memref<300xf32, #tpu.memory_space<vmem>>) target_semaphore(%arg9 : memref<!tpu.dma_semaphore, #tpu.memory_space<semaphore_mem>>)
        %slice3A_258 = vector.extract_strided_slice %get3A_52 {offsets = [13], sizes = [1], strides = [1]} : vector<16xi32> to vector<1xi32>
        %squeeze3A_259 = vector.extract %slice3A_258[0] : i32 from vector<1xi32>
        %add3A_260 = arith.constant 13 : i32
        %add3A_261 = arith.addi %add3A_47, %add3A_260 : i32
        %dma_start3A_262 = arith.constant 0 : i32
        %dma_start3A_263 = tpu.memref_slice %arg7[%add3A_261, %dma_start3A_262] : memref<128x300xf32, #tpu.memory_space<vmem>> -> memref<1x300xf32, #tpu.memory_space<vmem>>
        %dma_start3A_264 = tpu.memref_squeeze %dma_start3A_263 : memref<1x300xf32, #tpu.memory_space<vmem>> -> memref<300xf32, #tpu.memory_space<vmem>>
        %dma_start3A_265 = arith.constant 0 : i32
        %dma_start3A_266 = tpu.memref_slice %arg2[%squeeze3A_259, %dma_start3A_265] : memref<100000x300xf32, #tpu.memory_space<hbm>> -> memref<1x300xf32, #tpu.memory_space<hbm>>
        %dma_start3A_267 = tpu.memref_squeeze %dma_start3A_266 : memref<1x300xf32, #tpu.memory_space<hbm>> -> memref<300xf32, #tpu.memory_space<hbm>>
        %dma_start3A_268 = arith.constant 0 : i32
        %dma_start3A_269 = tpu.memref_slice %arg7[%add3A_261, %dma_start3A_268] : memref<128x300xf32, #tpu.memory_space<vmem>> -> memref<1x300xf32, #tpu.memory_space<vmem>>
        %dma_start3A_270 = tpu.memref_squeeze %dma_start3A_269 : memref<1x300xf32, #tpu.memory_space<vmem>> -> memref<300xf32, #tpu.memory_space<vmem>>
        %dma_start3A_271 = arith.constant 0 : i32
        %dma_start3A_272 = tpu.memref_slice %arg2[%squeeze3A_259, %dma_start3A_271] : memref<100000x300xf32, #tpu.memory_space<hbm>> -> memref<1x300xf32, #tpu.memory_space<hbm>>
        %dma_start3A_273 = tpu.memref_squeeze %dma_start3A_272 : memref<1x300xf32, #tpu.memory_space<hbm>> -> memref<300xf32, #tpu.memory_space<hbm>>
        tpu.enqueue_dma source(%dma_start3A_273 : memref<300xf32, #tpu.memory_space<hbm>>) target(%dma_start3A_270 : memref<300xf32, #tpu.memory_space<vmem>>) target_semaphore(%arg9 : memref<!tpu.dma_semaphore, #tpu.memory_space<semaphore_mem>>)
        %slice3A_274 = vector.extract_strided_slice %get3A_52 {offsets = [14], sizes = [1], strides = [1]} : vector<16xi32> to vector<1xi32>
        %squeeze3A_275 = vector.extract %slice3A_274[0] : i32 from vector<1xi32>
        %add3A_276 = arith.constant 14 : i32
        %add3A_277 = arith.addi %add3A_47, %add3A_276 : i32
        %dma_start3A_278 = arith.constant 0 : i32
        %dma_start3A_279 = tpu.memref_slice %arg7[%add3A_277, %dma_start3A_278] : memref<128x300xf32, #tpu.memory_space<vmem>> -> memref<1x300xf32, #tpu.memory_space<vmem>>
        %dma_start3A_280 = tpu.memref_squeeze %dma_start3A_279 : memref<1x300xf32, #tpu.memory_space<vmem>> -> memref<300xf32, #tpu.memory_space<vmem>>
        %dma_start3A_281 = arith.constant 0 : i32
        %dma_start3A_282 = tpu.memref_slice %arg2[%squeeze3A_275, %dma_start3A_281] : memref<100000x300xf32, #tpu.memory_space<hbm>> -> memref<1x300xf32, #tpu.memory_space<hbm>>
        %dma_start3A_283 = tpu.memref_squeeze %dma_start3A_282 : memref<1x300xf32, #tpu.memory_space<hbm>> -> memref<300xf32, #tpu.memory_space<hbm>>
        %dma_start3A_284 = arith.constant 0 : i32
        %dma_start3A_285 = tpu.memref_slice %arg7[%add3A_277, %dma_start3A_284] : memref<128x300xf32, #tpu.memory_space<vmem>> -> memref<1x300xf32, #tpu.memory_space<vmem>>
        %dma_start3A_286 = tpu.memref_squeeze %dma_start3A_285 : memref<1x300xf32, #tpu.memory_space<vmem>> -> memref<300xf32, #tpu.memory_space<vmem>>
        %dma_start3A_287 = arith.constant 0 : i32
        %dma_start3A_288 = tpu.memref_slice %arg2[%squeeze3A_275, %dma_start3A_287] : memref<100000x300xf32, #tpu.memory_space<hbm>> -> memref<1x300xf32, #tpu.memory_space<hbm>>
        %dma_start3A_289 = tpu.memref_squeeze %dma_start3A_288 : memref<1x300xf32, #tpu.memory_space<hbm>> -> memref<300xf32, #tpu.memory_space<hbm>>
        tpu.enqueue_dma source(%dma_start3A_289 : memref<300xf32, #tpu.memory_space<hbm>>) target(%dma_start3A_286 : memref<300xf32, #tpu.memory_space<vmem>>) target_semaphore(%arg9 : memref<!tpu.dma_semaphore, #tpu.memory_space<semaphore_mem>>)
        %slice3A_290 = vector.extract_strided_slice %get3A_52 {offsets = [15], sizes = [1], strides = [1]} : vector<16xi32> to vector<1xi32>
        %squeeze3A_291 = vector.extract %slice3A_290[0] : i32 from vector<1xi32>
        %add3A_292 = arith.constant 15 : i32
        %add3A_293 = arith.addi %add3A_47, %add3A_292 : i32
        %dma_start3A_294 = arith.constant 0 : i32
        %dma_start3A_295 = tpu.memref_slice %arg7[%add3A_293, %dma_start3A_294] : memref<128x300xf32, #tpu.memory_space<vmem>> -> memref<1x300xf32, #tpu.memory_space<vmem>>
        %dma_start3A_296 = tpu.memref_squeeze %dma_start3A_295 : memref<1x300xf32, #tpu.memory_space<vmem>> -> memref<300xf32, #tpu.memory_space<vmem>>
        %dma_start3A_297 = arith.constant 0 : i32
        %dma_start3A_298 = tpu.memref_slice %arg2[%squeeze3A_291, %dma_start3A_297] : memref<100000x300xf32, #tpu.memory_space<hbm>> -> memref<1x300xf32, #tpu.memory_space<hbm>>
        %dma_start3A_299 = tpu.memref_squeeze %dma_start3A_298 : memref<1x300xf32, #tpu.memory_space<hbm>> -> memref<300xf32, #tpu.memory_space<hbm>>
        %dma_start3A_300 = arith.constant 0 : i32
        %dma_start3A_301 = tpu.memref_slice %arg7[%add3A_293, %dma_start3A_300] : memref<128x300xf32, #tpu.memory_space<vmem>> -> memref<1x300xf32, #tpu.memory_space<vmem>>
        %dma_start3A_302 = tpu.memref_squeeze %dma_start3A_301 : memref<1x300xf32, #tpu.memory_space<vmem>> -> memref<300xf32, #tpu.memory_space<vmem>>
        %dma_start3A_303 = arith.constant 0 : i32
        %dma_start3A_304 = tpu.memref_slice %arg2[%squeeze3A_291, %dma_start3A_303] : memref<100000x300xf32, #tpu.memory_space<hbm>> -> memref<1x300xf32, #tpu.memory_space<hbm>>
        %dma_start3A_305 = tpu.memref_squeeze %dma_start3A_304 : memref<1x300xf32, #tpu.memory_space<hbm>> -> memref<300xf32, #tpu.memory_space<hbm>>
        tpu.enqueue_dma source(%dma_start3A_305 : memref<300xf32, #tpu.memory_space<hbm>>) target(%dma_start3A_302 : memref<300xf32, #tpu.memory_space<vmem>>) target_semaphore(%arg9 : memref<!tpu.dma_semaphore, #tpu.memory_space<semaphore_mem>>)
      }
      %scan3A_23 = arith.constant 8 : i32
      %dma_wait3A = arith.constant 0 : i32
      %dma_wait3A_24 = arith.constant 0 : i32
      %dma_wait3A_25 = tpu.memref_slice %arg2[%dma_wait3A, %dma_wait3A_24] : memref<100000x300xf32, #tpu.memory_space<hbm>> -> memref<128x300xf32, #tpu.memory_space<hbm>>
      %dma_wait3A_26 = arith.constant 0 : i32
      %dma_wait3A_27 = arith.constant 0 : i32
      %dma_wait3A_28 = tpu.memref_slice %arg2[%dma_wait3A_26, %dma_wait3A_27] : memref<100000x300xf32, #tpu.memory_space<hbm>> -> memref<128x300xf32, #tpu.memory_space<hbm>>
      tpu.wait_dma2 semaphore(%arg8 : memref<!tpu.dma_semaphore, #tpu.memory_space<semaphore_mem>>) src(%dma_wait3A_28 : memref<128x300xf32, #tpu.memory_space<hbm>>) dst(%arg6 : memref<128x300xf32, #tpu.memory_space<vmem>>)
      %mul3A_29 = arith.constant 128 : i32
      %mul3A_30 = arith.muli %add3A_11, %mul3A_29 : i32
      %add3A_31 = arith.addi %mul3A_2, %mul3A_30 : i32
      "tpu.region"() ({
        %run_scoped3A = tpu.sem_alloc : memref<!tpu.dma_semaphore, #tpu.memory_space<semaphore_mem>>
        %dma_start3A = arith.constant 0 : i32
        %dma_start3A_43 = tpu.memref_slice %arg4[%add3A_31, %dma_start3A] : memref<204800x300xf32, #tpu.memory_space<hbm>> -> memref<128x300xf32, #tpu.memory_space<hbm>>
        %dma_start3A_44 = arith.constant 0 : i32
        %dma_start3A_45 = tpu.memref_slice %arg4[%add3A_31, %dma_start3A_44] : memref<204800x300xf32, #tpu.memory_space<hbm>> -> memref<128x300xf32, #tpu.memory_space<hbm>>
        tpu.enqueue_dma source(%arg6 : memref<128x300xf32, #tpu.memory_space<vmem>>) target(%dma_start3A_45 : memref<128x300xf32, #tpu.memory_space<hbm>>) target_semaphore(%run_scoped3A : memref<!tpu.dma_semaphore, #tpu.memory_space<semaphore_mem>>)
        %dma_wait3A_46 = arith.constant 0 : i32
        %dma_wait3A_47 = tpu.memref_slice %arg4[%add3A_31, %dma_wait3A_46] : memref<204800x300xf32, #tpu.memory_space<hbm>> -> memref<128x300xf32, #tpu.memory_space<hbm>>
        %dma_wait3A_48 = arith.constant 0 : i32
        %dma_wait3A_49 = tpu.memref_slice %arg4[%add3A_31, %dma_wait3A_48] : memref<204800x300xf32, #tpu.memory_space<hbm>> -> memref<128x300xf32, #tpu.memory_space<hbm>>
        tpu.wait_dma2 semaphore(%run_scoped3A : memref<!tpu.dma_semaphore, #tpu.memory_space<semaphore_mem>>) src(%arg6 : memref<128x300xf32, #tpu.memory_space<vmem>>) dst(%dma_wait3A_49 : memref<128x300xf32, #tpu.memory_space<hbm>>)
        tpu.yield
      }) : () -> ()
      %add3A_32 = arith.constant 1 : i32
      %add3A_33 = arith.addi %add3A_11, %add3A_32 : i32
      %dma_wait3A_34 = arith.constant 0 : i32
      %dma_wait3A_35 = arith.constant 0 : i32
      %dma_wait3A_36 = tpu.memref_slice %arg2[%dma_wait3A_34, %dma_wait3A_35] : memref<100000x300xf32, #tpu.memory_space<hbm>> -> memref<128x300xf32, #tpu.memory_space<hbm>>
      %dma_wait3A_37 = arith.constant 0 : i32
      %dma_wait3A_38 = arith.constant 0 : i32
      %dma_wait3A_39 = tpu.memref_slice %arg2[%dma_wait3A_37, %dma_wait3A_38] : memref<100000x300xf32, #tpu.memory_space<hbm>> -> memref<128x300xf32, #tpu.memory_space<hbm>>
      tpu.wait_dma2 semaphore(%arg9 : memref<!tpu.dma_semaphore, #tpu.memory_space<semaphore_mem>>) src(%dma_wait3A_39 : memref<128x300xf32, #tpu.memory_space<hbm>>) dst(%arg7 : memref<128x300xf32, #tpu.memory_space<vmem>>)
      %mul3A_40 = arith.constant 128 : i32
      %mul3A_41 = arith.muli %add3A_33, %mul3A_40 : i32
      %add3A_42 = arith.addi %mul3A_2, %mul3A_41 : i32
      "tpu.region"() ({
        %run_scoped3A = tpu.sem_alloc : memref<!tpu.dma_semaphore, #tpu.memory_space<semaphore_mem>>
        %dma_start3A = arith.constant 0 : i32
        %dma_start3A_43 = tpu.memref_slice %arg4[%add3A_42, %dma_start3A] : memref<204800x300xf32, #tpu.memory_space<hbm>> -> memref<128x300xf32, #tpu.memory_space<hbm>>
        %dma_start3A_44 = arith.constant 0 : i32
        %dma_start3A_45 = tpu.memref_slice %arg4[%add3A_42, %dma_start3A_44] : memref<204800x300xf32, #tpu.memory_space<hbm>> -> memref<128x300xf32, #tpu.memory_space<hbm>>
        tpu.enqueue_dma source(%arg7 : memref<128x300xf32, #tpu.memory_space<vmem>>) target(%dma_start3A_45 : memref<128x300xf32, #tpu.memory_space<hbm>>) target_semaphore(%run_scoped3A : memref<!tpu.dma_semaphore, #tpu.memory_space<semaphore_mem>>)
        %dma_wait3A_46 = arith.constant 0 : i32
        %dma_wait3A_47 = tpu.memref_slice %arg4[%add3A_42, %dma_wait3A_46] : memref<204800x300xf32, #tpu.memory_space<hbm>> -> memref<128x300xf32, #tpu.memory_space<hbm>>
        %dma_wait3A_48 = arith.constant 0 : i32
        %dma_wait3A_49 = tpu.memref_slice %arg4[%add3A_42, %dma_wait3A_48] : memref<204800x300xf32, #tpu.memory_space<hbm>> -> memref<128x300xf32, #tpu.memory_space<hbm>>
        tpu.wait_dma2 semaphore(%run_scoped3A : memref<!tpu.dma_semaphore, #tpu.memory_space<semaphore_mem>>) src(%arg7 : memref<128x300xf32, #tpu.memory_space<vmem>>) dst(%dma_wait3A_49 : memref<128x300xf32, #tpu.memory_space<hbm>>)
        tpu.yield
      }) : () -> ()
    }
    %scan3A_6 = arith.constant 25 : i32
    return
  }
}

</mosaic_0001>

<sc_bundles>
// kernel: kernel.3.cloned.1.call-start
scs
__scs_entry_jumppad:
0x0: {  	(pc) =	sbr.rel $0x88, $3  }
0x1: {  	(tag) =	ssettag $0x0;
	lr =	simm.s32 $0x1  }
0x2: {  	[smem:$0x3F9F] =	sst lr;
	_ =	strace $0xD0000000  }
0x3: {  	_ = 	snop  }
0x4: {  	_ = 	snop  }
0x5: {  	_ = 	snop  }
0x6: {  	_ = 	snop  }
0x7: {  	_ = 	snop  }
__scs_overlays_trampoline_lowered:
0x8: {  	[smem:$0x3FAE] =	sst s0  }
0x9: {  	[smem:$0x3FAF] =	sst s1  }
0xa: {  	[smem:$0x3FB0] =	sst s2  }
0xb: {  	[smem:$0x3FB1] =	sst s3  }
0xc: {  	[smem:$0x3FB2] =	sst s4  }
0xd: {  	[smem:$0x3FB3] =	sst s5  }
0xe: {  	[smem:$0x3FB4] =	sst s6  }
0xf: {  	[smem:$0x3FB5] =	sst s7  }
0x10: {  	[smem:$0x3FB6] =	sst s8  }
0x11: {  	[smem:$0x3FB7] =	sst s9;
	s0 =	simm.s32 @!p0 $0x0  }
0x12: {  	s1 =	sld [smem:$0x3F9D];
	s0 =	simm.s32 @p0 $0x1  }
0x13: {  	[smem:$0x3FB8] =	sst s0;
	s0 =	simm.s32 @!p1 $0x0  }
0x14: {  	s2 =	sld [smem:$0x3F9C];
	s0 =	simm.s32 @p1 $0x1  }
0x15: {  	[smem:$0x3FB9] =	sst s0;
	s0 =	simm.s32 @!p2 $0x0  }
0x16: {  	s3 =	sld [smem:$0x3FDB];
	s0 =	simm.s32 @p2 $0x1  }
0x17: {  	s4 =	simm.s32 $0x1BF5;
	[smem:$0x3FBB] =	sst s0  }
0x18: {  	s0 =	sld [smem:$0x3F9E];
	_ =	swait.ge [sflag:s4], $0x0  }
0x19: {  	s7 =	sld [smem:$0x3F9F]  }
0x1a: {  	s8 =	sadd.s32 $0xFFFFE003, lr  }
0x1b: {  	s9 =	sadd.s32 $0xFFFFFEF7, lr;
	s5 =	simm.s32 $0xFFFFFFFF;
	p2 =	slt.u32 s8, $0xFFFFF086  }
0x1c: {  	p1 =	slt.u32 s9, $0xF7A;
	s5 =	simm.s32 @!p2 $0x0  }
0x1d: {  	s5 =	simm.s32 @p1 $0x1;
	p0 =	seq.s32 s7, s2  }
0x1e: {  	s7 =	smul.u32 @!p0 $0xF7A, s2;
	p2 =	seq.s32 @!p0 s5, $0x0  }
0x1f: {  	s9 =	smul.u32 $0xF7A, s1;
	s8 =	simm.s32 @!p0 $0x1BF5;
	p2 =	por !p2, p0  }
0x20: {  	[sflag:s8] =	ssyncset.s32 @!p0 $0xFFFFF086;
	s6 =	sadd.s32 @!p0 s3, s7;
	s7 =	simm.s32 @!p0 $0x108  }
0x21: {  	s3 =	sadd.s32 s3, s9;
	s6 =	sadd.s32 @!p0 $0x88, s6;
	s7 =	simm.s32 @p2 $0x1082  }
0x22: {  	[simem:s7], [sflag:s8] =	dma.local @!p0 [hbm:s6], $0xF7A  }
0x23: {  	s9 =	sor.u32 $0xD0000000, s2;
	s6 =	simm.s32 $0x108;
	_ =	swait.ge @!p0 [sflag:s8], $0x0  }
0x24: {  	s3 =	sadd.s32 $0x88, s3;
	s6 =	simm.s32 @!p1 $0x1082;
	[sflag:s4] =	ssyncset.s32 $0xFFFFF086  }
0x25: {  	[simem:s6], [sflag:s4] =	dma.local [hbm:s3], $0xF7A  }
0x26: {  	[smem:$0x3F9F] =	sst s1;
	(tag) =	ssettag s2;
	_ =	strace s9  }
0x27: {  	s1 =	sld [smem:$0x3FAF]  }
0x28: {  	s2 =	sld [smem:$0x3FB0]  }
0x29: {  	s4 =	sld [smem:$0x3FB2]  }
0x2a: {  	p0 =	seq.s32 s5, $0x0;
	s5 =	sld [smem:$0x3FB3]  }
0x2b: {  	s6 =	sld [smem:$0x3FB4]  }
0x2c: {  	s7 =	sld [smem:$0x3FB5]  }
0x2d: {  	s3 =	simm.s32 $0x108;
	s8 =	sld [smem:$0x3FB6]  }
0x2e: {  	s3 =	simm.s32 @!p0 $0x1082;
	s9 =	sld [smem:$0x3FB7]  }
0x2f: {  	lr =	sadd.s32 s0, s3;
	s0 =	sld [smem:$0x3FAE]  }
0x30: {  	s3 =	sld [smem:$0x3FB1]  }
0x31: {  	[smem:$0x3FBA] =	sst s10  }
0x32: {  	s10 =	sld [smem:$0x3FB8];
	_ =	sdelay $0x3  }
0x33: {  	p0 =	seq.s32 s10, $0x1;
	s10 =	sld [smem:$0x3FBA];
	_ =	sdelay $0x3  }
0x34: {  	[smem:$0x3FBA] =	sst s10  }
0x35: {  	s10 =	sld [smem:$0x3FB9];
	_ =	sdelay $0x3  }
0x36: {  	p1 =	seq.s32 s10, $0x1;
	s10 =	sld [smem:$0x3FBA];
	_ =	sdelay $0x3  }
0x37: {  	[smem:$0x3FBA] =	sst s10  }
0x38: {  	s10 =	sld [smem:$0x3FBB]  }
0x39: {  	_ = 	snop;
	(pc) =	sbr.ind lr, $3  }
0x3a: {  	_ = 	snop  }
0x3b: {  	_ = 	snop  }
0x3c: {  	p2 =	seq.s32 s10, $0x1;
	s10 =	sld [smem:$0x3FBA]  }
0x3d: {  	_ =	shalt  }
0x3e: {  	_ =	shalt  }
0x3f: {  	_ =	shalt  }
0x40: {  	_ =	shalt  }
0x41: {  	_ =	shalt  }
0x42: {  	_ =	shalt  }
0x43: {  	_ =	shalt  }
0x44: {  	_ =	shalt  }
0x45: {  	_ =	shalt  }
0x46: {  	_ =	shalt  }
0x47: {  	_ =	shalt  }
0x48: {  	_ =	shalt  }
0x49: {  	_ =	shalt  }
0x4a: {  	_ =	shalt  }
0x4b: {  	_ =	shalt  }
0x4c: {  	_ =	shalt  }
0x4d: {  	_ =	shalt  }
0x4e: {  	_ =	shalt  }
0x4f: {  	_ =	shalt  }
0x50: {  	_ =	shalt  }
0x51: {  	_ =	shalt  }
0x52: {  	_ =	shalt  }
0x53: {  	_ =	shalt  }
0x54: {  	_ =	shalt  }
0x55: {  	_ =	shalt  }
0x56: {  	_ =	shalt  }
0x57: {  	_ =	shalt  }
0x58: {  	_ =	shalt  }
0x59: {  	_ =	shalt  }
0x5a: {  	_ =	shalt  }
0x5b: {  	_ =	shalt  }
0x5c: {  	_ =	shalt  }
0x5d: {  	_ =	shalt  }
0x5e: {  	_ =	shalt  }
0x5f: {  	_ =	shalt  }
0x60: {  	_ =	shalt  }
0x61: {  	_ =	shalt  }
0x62: {  	_ =	shalt  }
0x63: {  	_ =	shalt  }
0x64: {  	_ =	shalt  }
0x65: {  	_ =	shalt  }
0x66: {  	_ =	shalt  }
0x67: {  	_ =	shalt  }
0x68: {  	_ =	shalt  }
0x69: {  	_ =	shalt  }
0x6a: {  	_ =	shalt  }
0x6b: {  	_ =	shalt  }
0x6c: {  	_ =	shalt  }
0x6d: {  	_ =	shalt  }
0x6e: {  	_ =	shalt  }
0x6f: {  	_ =	shalt  }
0x70: {  	_ =	shalt  }
0x71: {  	_ =	shalt  }
0x72: {  	_ =	shalt  }
0x73: {  	_ =	shalt  }
0x74: {  	_ =	shalt  }
0x75: {  	_ =	shalt  }
0x76: {  	_ =	shalt  }
0x77: {  	_ =	shalt  }
0x78: {  	_ =	shalt  }
0x79: {  	_ =	shalt  }
0x7a: {  	_ =	shalt  }
0x7b: {  	_ =	shalt  }
0x7c: {  	_ =	shalt  }
0x7d: {  	_ =	shalt  }
0x7e: {  	_ =	shalt  }
0x7f: {  	_ =	shalt  }
0x80: {  	_ =	shalt  }
0x81: {  	_ =	shalt  }
0x82: {  	_ =	shalt  }
0x83: {  	_ =	shalt  }
0x84: {  	_ =	shalt  }
0x85: {  	_ =	shalt  }
0x86: {  	_ =	shalt  }
0x87: {  	_ =	shalt  }
.Lfunc_end0:
.L_simem_size_0:
called_computation.1_lowered:
.L_overlay_start_0:
0x88: {  	s2 =	sld [smem:$0x3FD9]  }
0x89: {  	s3 =	sld [smem:$0x3FFE];
	_ =	sdelay $0x1  }
0x8a: {  	s1 =	srdreg.scid  }
0x8b: {  	s0 =	sand.u32 $0x1, s1  }
0x8c: {  	s17 =	sshll.u32 s0, $0xA;
	s2 =	sadd.s32 s3, s2  }
0x8d: {  	s2 =	sadd.s32 s2, s17  }
0x8e: {  	[smem:$0x3FC6] =	sst s2  }
0x8f: {  	_ = 	snop  }
0x90: {  	s2 =	sld [smem:$0x3FD0];
	(tm) =	ssettm $0x1  }
0x91: {  	s18 =	sld [smem:$0x3FFB];
	_ =	sdelay $0x3  }
0x92: {  	_ =	strace s18  }
0x93: {  	s3 =	sld [smem:$0x3FFC];
	_ =	sdelay $0x3  }
0x94: {  	_ =	strace s3  }
0x95: {  	s3 =	sld [smem:$0x3FFD];
	_ =	sdelay $0x3  }
0x96: {  	_ =	strace s3  }
0x97: {  	_ =	strace $0x8FFFFFFF  }
0x98: {  	s19 =	sld [smem:$0x3FDB];
	_ =	sdelay $0x1  }
0x99: {  	s4 =	simm.s32 $_scs_section_size  }
0x9a: {  	s5 =	simm.s32 $_size__tile_overlayer_lowered;
	s6 =	simm.s32 $_tile_overlayer_lowered  }
0x9b: {  	s22 =	simm.s32 $0x1BFF;
	s21 =	sshll.u32 s6, $0x1;
	s3 =	sadd.s32 s4, s19  }
0x9c: {  	s7 =	simm.s32 $0x0;
	s20 =	sshll.u32 s5, $0x1;
	s5 =	sadd.s32 s21, s3  }
0x9d: {  	[timem:s7], [sflag:s22] =	dma.local [hbm:s5], s20  }
0x9e: {  	_ =	swait.ge [sflag:s22], s20  }
0x9f: {  	s4 =	ssub.s32 $0x0, s20;
	[sflag:s22] =	ssyncset.done $0x0  }
0xa0: {  	[sflag:s22] =	ssyncadd.s32 s4;
	_ =	sdelay $0x1  }
0xa1: {  	s23 =	simm.s32 $0x1B8B  }
0xa2: {  	_ =	swait.ge [sflag:s23], $0x1  }
0xa3: {  	[sflag:s23] =	ssyncset.done $0x0  }
0xa4: {  	s25 =	simm.s32 $0x1B8E;
	s24 =	sld [smem:$0x3FFE];
	[sflag:s23] =	ssyncadd.s32 $0xFFFFFFFF  }
0xa5: {  	s26 =	simm.s32 $execute0_lowered;
	[smem:$0x3FD2] =	sst s25  }
0xa6: {  	s5 =	sshll.u32 s26, $0x1;
	_ =	strace $0x80000046;
	[dreg:$0x1] =	wrdreg $0xFFFFFFFF  }
0xa7: {  	s28 =	simm.s32 $_size_execute0_lowered;
	s3 =	sadd.s32 s3, s5;
	[dreg:$0x0] =	wrdreg $0x0  }
0xa8: {  	s5 =	sshll.u32 s28, $0x1;
	[dreg:$0x2] =	wrdreg s3  }
0xa9: {  	[dreg:$0x3] =	wrdreg s5  }
0xaa: {  	[dreg:$0x4] =	wrdreg $0xC0  }
0xab: {  	_ =	task [dreg:s7], $0x5FFFF  }
0xac: {  	[dreg:$0x1] =	wrdreg $0xFFFFFFFF  }
0xad: {  	[dreg:$0x0] =	wrdreg $0x60  }
0xae: {  	[dreg:$0x2] =	wrdreg s2  }
0xaf: {  	[dreg:$0x3] =	wrdreg s24  }
0xb0: {  	[dreg:$0x4] =	wrdreg $0x9  }
0xb1: {  	_ =	task.clear_ibuf [dreg:s7], $0x5FFFF;
	_ =	strace $0x90000046  }
0xb2: {  	s29 =	simm.s32 $0x9;
	_ =	strace $0x80000048  }
0xb3: {  	_ =	swait.ge [sflag:s29], $0x1  }
0xb4: {  	[sflag:s29] =	ssyncadd.s32 $0xFFFFFFFF  }
0xb5: {  	_ =	strace $0x90000048  }
0xb6: {  	_ =	sfence  }
0xb7: {  	s30 =	sld [smem:$0x0];
	_ =	sdelay $0x2  }
0xb8: {  	s31 =	sshll.u32 s1, $0xD;
	s1 =	sshrl.u32 s1, $0x2  }
0xb9: {  	s3 =	sand.u32 $0x4000, s31;
	s1 =	sadd.s32 s1, s30  }
0xba: {  	s0 =	sor.u32 s3, s0;
	s1 =	sshll.u32 s1, $0x11  }
0xbb: {  	s0 =	sor.u32 s1, s0  }
0xbc: {  	s0 =	sadd.s32 $0x8F2B, s0  }
0xbd: {  	[sflag:s0] =	ssyncadd.remote.s32 $0x1  }
0xbe: {  	_ =	sfence.sel $0xFFFF  }
0xbf: {  	[dreg:$0x0] =	wrdreg $0xFFFFFFFF;
	(pc) =	sbr.abs _section_cstart, $3  }
0xc0: {  	[dreg:$0x1] =	wrdreg $0xFFFFFFFF  }
0xc1: {  	_ =	task.clear_ibuf [dreg:s7], $0x2FFFF;
	_ =	strace $0x9FFFFFFF  }
0xc2: {  	(tm) =	ssettm $0x7FFFFFFF  }
0xc3: {  	_ =	shalt  }
tec
execute0_lowered:
.L_overlay_start_1:
0x0: {  	(tag) =	ssettag $0x1  }
0x1: {  	s1 =	srdreg.scid;
	s2 =	rddreg [dreg:$0x0]  }
0x2: {  	s0 =	stileid.u32;
	s6 =	rddreg [dreg:$0x1];
	s4 =	simm.s32 $0x0  }
0x3: {  	s9 =	simm.s32 $0x1;
	s5 =	sand.u32 $0x1, s1;
	s31 =	sshll.u32 s0, $0x1  }
0x4: {  	s10 =	simm.s32 $0x1900;
	s11 =	simm.s32 $0x2;
	s1 =	sor.u32 s5, s31  }
0x5: {  	s12 =	simm.s32 $0xD900;
	[smem:$0x7FF] =	sst s4;
	s3 =	smul.u32 $0x1900, s1  }
0x6: {  	s13 =	simm.s32 $0x0;
	s5 =	ssub.s32 $0x2, s5;
	s1 =	rddreg [dreg:$0x2]  }
0x7: {  	s8 =	sshrl.u32 s5, $0x1;
	_ =	strace $0x80000047;
	s7 =	sshrl.u32 s3, $0x3  }
0x8: {  	s8 =	ssub.s32 s5, s8;
	s5 =	sadd.s32 $0x6C00, s6;
	s7 =	sadd.s32 s7, s6  }
0x9: {  	s6 =	sadd.s32 $0x800, s7;
	s7 =	smax.u32 s8, $0x1;
	s8 =	simm.s32 $0x3  }
.LBB2_1:
0xa: {  	[tilespmem:s4], [sflag:$0x3] =	stream.linear.gather [hbm4b:s6+s4], $0x1900, $0x38;
	[tilespmem:$0x19900] =	vst v63  }
0xb: {  	_ =	swait.ge [sflag:s8], $0x1900  }
0xc: {  	s14 =	simm.s32 $0x80;
	[sflag:s8] =	ssyncset.done $0x0  }
0xd: {  	s15 =	simm.s32 $0x0;
	s16 =	simm.s32 $0x0;
	[sflag:s8] =	ssyncadd.s32 $0xFFFFE700  }
.LBB2_2:
0xe: {  	s17 =	simm.s32 $0x0;
	s18 =	smov.u32 s15  }
.LBB2_3:
0xf: {  	v0 =	vld [tilespmem:s18+$0x0];
	_ =	sdelay $0x4  }
0x10: {  	(v2sf) =	vpush v0, $0x0;
	_ =	sdelay $0x7  }
0x11: {  	(v2sf) =	vpush v0, $0x1;
	_ =	sdelay $0x6  }
0x12: {  	s19 =	spop (v2sf)  }
0x13: {  	s20 =	sshrl.u32 s19, $0x3  }
0x14: {  	s19 =	sshll.u32 s19, $0x7;
	s20 =	smul.u32 $0xC00, s20  }
0x15: {  	(v2sf) =	vpush v0, $0x2;
	s19 =	sand.u32 $0x380, s19  }
0x16: {  	s20 =	sor.u32 s19, s20  }
0x17: {  	s19 =	sshra.s32 s17, $0x2;
	s20 =	sshrl.u32 s20, $0x3  }
0x18: {  	s21 =	sadd.s32 $0x1900, s19;
	s20 =	sadd.s32 s2, s20  }
0x19: {  	[tilespmem:s21], [sflag:$0x1] =	stream.linear.gather [hbm4b:s20+s4], $0x80, $0x38;
	[tilespmem:$0x19900] =	vst v63  }
0x1a: {  	s23 =	spop (v2sf);
	s22 =	sadd.s32 $0x1D00, s19;
	s31 =	sadd.s32 $0x80, s20  }
0x1b: {  	[tilespmem:s22], [sflag:$0x1] =	stream.linear.gather [hbm4b:s31+s4], $0x80, $0x38;
	[tilespmem:$0x19900] =	vst v63  }
0x1c: {  	s24 =	sshrl.u32 s23, $0x3;
	s20 =	sadd.s32 $0x100, s20;
	s22 =	sadd.s32 $0x2100, s19  }
0x1d: {  	[tilespmem:s22], [sflag:$0x1] =	stream.linear.gather [hbm4b:s20+s4], $0x80, $0x38;
	[tilespmem:$0x19900] =	vst v63  }
0x1e: {  	s21 =	smul.u32 $0xC00, s24;
	s20 =	sshll.u32 s23, $0x7  }
0x1f: {  	(v2sf) =	vpush v0, $0x3;
	s20 =	sand.u32 $0x380, s20  }
0x20: {  	s20 =	sor.u32 s20, s21  }
0x21: {  	s20 =	sshrl.u32 s20, $0x3  }
0x22: {  	s25 =	sadd.s32 $0x1980, s19;
	s20 =	sadd.s32 s2, s20  }
0x23: {  	[tilespmem:s25], [sflag:$0x1] =	stream.linear.gather [hbm4b:s20+s4], $0x80, $0x38;
	[tilespmem:$0x19900] =	vst v63  }
0x24: {  	s28 =	sadd.s32 $0x1D80, s19;
	s30 =	spop (v2sf);
	s26 =	sadd.s32 $0x80, s20  }
0x25: {  	[tilespmem:s28], [sflag:$0x1] =	stream.linear.gather [hbm4b:s26+s4], $0x80, $0x38;
	[tilespmem:$0x19900] =	vst v63  }
0x26: {  	s29 =	sadd.s32 $0x2180, s19;
	s20 =	sadd.s32 $0x100, s20;
	s31 =	sshrl.u32 s30, $0x3  }
0x27: {  	[tilespmem:s29], [sflag:$0x1] =	stream.linear.gather [hbm4b:s20+s4], $0x80, $0x38;
	[tilespmem:$0x19900] =	vst v63  }
0x28: {  	s21 =	smul.u32 $0xC00, s31;
	s20 =	sshll.u32 s30, $0x7  }
0x29: {  	(v2sf) =	vpush v0, $0x4;
	s20 =	sand.u32 $0x380, s20  }
0x2a: {  	s20 =	sor.u32 s20, s21  }
0x2b: {  	s20 =	sshrl.u32 s20, $0x3  }
0x2c: {  	s22 =	sadd.s32 $0x1A00, s19;
	s20 =	sadd.s32 s2, s20  }
0x2d: {  	[tilespmem:s22], [sflag:$0x1] =	stream.linear.gather [hbm4b:s20+s4], $0x80, $0x38;
	[tilespmem:$0x19900] =	vst v63  }
0x2e: {  	s24 =	sadd.s32 $0x1E00, s19;
	s26 =	spop (v2sf);
	s23 =	sadd.s32 $0x80, s20  }
0x2f: {  	[tilespmem:s24], [sflag:$0x1] =	stream.linear.gather [hbm4b:s23+s4], $0x80, $0x38;
	[tilespmem:$0x19900] =	vst v63  }
0x30: {  	s25 =	sadd.s32 $0x2200, s19;
	s28 =	sshrl.u32 s26, $0x3;
	s20 =	sadd.s32 $0x100, s20  }
0x31: {  	[tilespmem:s25], [sflag:$0x1] =	stream.linear.gather [hbm4b:s20+s4], $0x80, $0x38;
	[tilespmem:$0x19900] =	vst v63  }
0x32: {  	s21 =	smul.u32 $0xC00, s28;
	s20 =	sshll.u32 s26, $0x7  }
0x33: {  	(v2sf) =	vpush v0, $0x5;
	s20 =	sand.u32 $0x380, s20  }
0x34: {  	s20 =	sor.u32 s20, s21  }
0x35: {  	s20 =	sshrl.u32 s20, $0x3  }
0x36: {  	s29 =	sadd.s32 $0x1A80, s19;
	s20 =	sadd.s32 s2, s20  }
0x37: {  	[tilespmem:s29], [sflag:$0x1] =	stream.linear.gather [hbm4b:s20+s4], $0x80, $0x38;
	[tilespmem:$0x19900] =	vst v63  }
0x38: {  	s31 =	sadd.s32 $0x1E80, s19;
	s23 =	spop (v2sf);
	s30 =	sadd.s32 $0x80, s20  }
0x39: {  	[tilespmem:s31], [sflag:$0x1] =	stream.linear.gather [hbm4b:s30+s4], $0x80, $0x38;
	[tilespmem:$0x19900] =	vst v63  }
0x3a: {  	s22 =	sadd.s32 $0x2280, s19;
	s24 =	sshrl.u32 s23, $0x3;
	s20 =	sadd.s32 $0x100, s20  }
0x3b: {  	[tilespmem:s22], [sflag:$0x1] =	stream.linear.gather [hbm4b:s20+s4], $0x80, $0x38;
	[tilespmem:$0x19900] =	vst v63  }
0x3c: {  	s21 =	smul.u32 $0xC00, s24;
	s20 =	sshll.u32 s23, $0x7  }
0x3d: {  	(v2sf) =	vpush v0, $0x6;
	s20 =	sand.u32 $0x380, s20  }
0x3e: {  	s20 =	sor.u32 s20, s21  }
0x3f: {  	s20 =	sshrl.u32 s20, $0x3  }
0x40: {  	s25 =	sadd.s32 $0x1B00, s19;
	s20 =	sadd.s32 s2, s20  }
0x41: {  	[tilespmem:s25], [sflag:$0x1] =	stream.linear.gather [hbm4b:s20+s4], $0x80, $0x38;
	[tilespmem:$0x19900] =	vst v63  }
0x42: {  	s28 =	sadd.s32 $0x1F00, s19;
	s30 =	spop (v2sf);
	s26 =	sadd.s32 $0x80, s20  }
0x43: {  	[tilespmem:s28], [sflag:$0x1] =	stream.linear.gather [hbm4b:s26+s4], $0x80, $0x38;
	[tilespmem:$0x19900] =	vst v63  }
0x44: {  	s29 =	sadd.s32 $0x2300, s19;
	s31 =	sshrl.u32 s30, $0x3;
	s20 =	sadd.s32 $0x100, s20  }
0x45: {  	[tilespmem:s29], [sflag:$0x1] =	stream.linear.gather [hbm4b:s20+s4], $0x80, $0x38;
	[tilespmem:$0x19900] =	vst v63  }
0x46: {  	s21 =	smul.u32 $0xC00, s31;
	s20 =	sshll.u32 s30, $0x7  }
0x47: {  	(v2sf) =	vpush v0, $0x7;
	s20 =	sand.u32 $0x380, s20  }
0x48: {  	s20 =	sor.u32 s20, s21  }
0x49: {  	s20 =	sshrl.u32 s20, $0x3  }
0x4a: {  	s22 =	sadd.s32 $0x1B80, s19;
	s20 =	sadd.s32 s2, s20  }
0x4b: {  	[tilespmem:s22], [sflag:$0x1] =	stream.linear.gather [hbm4b:s20+s4], $0x80, $0x38;
	[tilespmem:$0x19900] =	vst v63  }
0x4c: {  	s24 =	sadd.s32 $0x1F80, s19;
	s26 =	spop (v2sf);
	s23 =	sadd.s32 $0x80, s20  }
0x4d: {  	[tilespmem:s24], [sflag:$0x1] =	stream.linear.gather [hbm4b:s23+s4], $0x80, $0x38;
	[tilespmem:$0x19900] =	vst v63  }
0x4e: {  	s25 =	sadd.s32 $0x2380, s19;
	s28 =	sshrl.u32 s26, $0x3;
	s20 =	sadd.s32 $0x100, s20  }
0x4f: {  	[tilespmem:s25], [sflag:$0x1] =	stream.linear.gather [hbm4b:s20+s4], $0x80, $0x38;
	[tilespmem:$0x19900] =	vst v63  }
0x50: {  	s21 =	smul.u32 $0xC00, s28;
	s20 =	sshll.u32 s26, $0x7  }
0x51: {  	(v2sf) =	vpush v0, $0x8;
	s20 =	sand.u32 $0x380, s20  }
0x52: {  	s20 =	sor.u32 s20, s21  }
0x53: {  	s20 =	sshrl.u32 s20, $0x3  }
0x54: {  	s29 =	sadd.s32 $0x1C00, s19;
	s20 =	sadd.s32 s2, s20  }
0x55: {  	[tilespmem:s29], [sflag:$0x1] =	stream.linear.gather [hbm4b:s20+s4], $0x80, $0x38;
	[tilespmem:$0x19900] =	vst v63  }
0x56: {  	s31 =	sadd.s32 $0x2000, s19;
	s23 =	spop (v2sf);
	s30 =	sadd.s32 $0x80, s20  }
0x57: {  	[tilespmem:s31], [sflag:$0x1] =	stream.linear.gather [hbm4b:s30+s4], $0x80, $0x38;
	[tilespmem:$0x19900] =	vst v63  }
0x58: {  	s22 =	sadd.s32 $0x2400, s19;
	s24 =	sshrl.u32 s23, $0x3;
	s20 =	sadd.s32 $0x100, s20  }
0x59: {  	[tilespmem:s22], [sflag:$0x1] =	stream.linear.gather [hbm4b:s20+s4], $0x80, $0x38;
	[tilespmem:$0x19900] =	vst v63  }
0x5a: {  	s21 =	smul.u32 $0xC00, s24;
	s20 =	sshll.u32 s23, $0x7  }
0x5b: {  	(v2sf) =	vpush v0, $0x9;
	s20 =	sand.u32 $0x380, s20  }
0x5c: {  	s20 =	sor.u32 s20, s21  }
0x5d: {  	s20 =	sshrl.u32 s20, $0x3  }
0x5e: {  	s25 =	sadd.s32 $0x1C80, s19;
	s20 =	sadd.s32 s2, s20  }
0x5f: {  	[tilespmem:s25], [sflag:$0x1] =	stream.linear.gather [hbm4b:s20+s4], $0x80, $0x38;
	[tilespmem:$0x19900] =	vst v63  }
0x60: {  	s28 =	sadd.s32 $0x2080, s19;
	s30 =	spop (v2sf);
	s26 =	sadd.s32 $0x80, s20  }
0x61: {  	[tilespmem:s28], [sflag:$0x1] =	stream.linear.gather [hbm4b:s26+s4], $0x80, $0x38;
	[tilespmem:$0x19900] =	vst v63  }
0x62: {  	s29 =	sadd.s32 $0x2480, s19;
	s31 =	sshrl.u32 s30, $0x3;
	s20 =	sadd.s32 $0x100, s20  }
0x63: {  	[tilespmem:s29], [sflag:$0x1] =	stream.linear.gather [hbm4b:s20+s4], $0x80, $0x38;
	[tilespmem:$0x19900] =	vst v63  }
0x64: {  	s21 =	smul.u32 $0xC00, s31;
	s20 =	sshll.u32 s30, $0x7  }
0x65: {  	(v2sf) =	vpush v0, $0xA;
	s20 =	sand.u32 $0x380, s20  }
0x66: {  	s20 =	sor.u32 s20, s21  }
0x67: {  	s20 =	sshrl.u32 s20, $0x3  }
0x68: {  	s22 =	sadd.s32 $0x2500, s19;
	s20 =	sadd.s32 s2, s20  }
0x69: {  	[tilespmem:s22], [sflag:$0x1] =	stream.linear.gather [hbm4b:s20+s4], $0x80, $0x38;
	[tilespmem:$0x19900] =	vst v63  }
0x6a: {  	s24 =	sadd.s32 $0x2900, s19;
	s26 =	spop (v2sf);
	s23 =	sadd.s32 $0x80, s20  }
0x6b: {  	[tilespmem:s24], [sflag:$0x1] =	stream.linear.gather [hbm4b:s23+s4], $0x80, $0x38;
	[tilespmem:$0x19900] =	vst v63  }
0x6c: {  	s25 =	sadd.s32 $0x2D00, s19;
	s28 =	sshrl.u32 s26, $0x3;
	s20 =	sadd.s32 $0x100, s20  }
0x6d: {  	[tilespmem:s25], [sflag:$0x1] =	stream.linear.gather [hbm4b:s20+s4], $0x80, $0x38;
	[tilespmem:$0x19900] =	vst v63  }
0x6e: {  	s21 =	smul.u32 $0xC00, s28;
	s20 =	sshll.u32 s26, $0x7  }
0x6f: {  	(v2sf) =	vpush v0, $0xB;
	s20 =	sand.u32 $0x380, s20  }
0x70: {  	s20 =	sor.u32 s20, s21  }
0x71: {  	s20 =	sshrl.u32 s20, $0x3  }
0x72: {  	s29 =	sadd.s32 $0x2580, s19;
	s20 =	sadd.s32 s2, s20  }
0x73: {  	[tilespmem:s29], [sflag:$0x1] =	stream.linear.gather [hbm4b:s20+s4], $0x80, $0x38;
	[tilespmem:$0x19900] =	vst v63  }
0x74: {  	s31 =	sadd.s32 $0x2980, s19;
	s23 =	spop (v2sf);
	s30 =	sadd.s32 $0x80, s20  }
0x75: {  	[tilespmem:s31], [sflag:$0x1] =	stream.linear.gather [hbm4b:s30+s4], $0x80, $0x38;
	[tilespmem:$0x19900] =	vst v63  }
0x76: {  	s22 =	sadd.s32 $0x2D80, s19;
	s24 =	sshrl.u32 s23, $0x3;
	s20 =	sadd.s32 $0x100, s20  }
0x77: {  	[tilespmem:s22], [sflag:$0x1] =	stream.linear.gather [hbm4b:s20+s4], $0x80, $0x38;
	[tilespmem:$0x19900] =	vst v63  }
0x78: {  	s21 =	smul.u32 $0xC00, s24;
	s20 =	sshll.u32 s23, $0x7  }
0x79: {  	(v2sf) =	vpush v0, $0xC;
	s20 =	sand.u32 $0x380, s20  }
0x7a: {  	s20 =	sor.u32 s20, s21  }
0x7b: {  	s20 =	sshrl.u32 s20, $0x3  }
0x7c: {  	s25 =	sadd.s32 $0x2600, s19;
	s20 =	sadd.s32 s2, s20  }
0x7d: {  	[tilespmem:s25], [sflag:$0x1] =	stream.linear.gather [hbm4b:s20+s4], $0x80, $0x38;
	[tilespmem:$0x19900] =	vst v63  }
0x7e: {  	s28 =	sadd.s32 $0x2A00, s19;
	s30 =	spop (v2sf);
	s26 =	sadd.s32 $0x80, s20  }
0x7f: {  	[tilespmem:s28], [sflag:$0x1] =	stream.linear.gather [hbm4b:s26+s4], $0x80, $0x38;
	[tilespmem:$0x19900] =	vst v63  }
0x80: {  	s29 =	sadd.s32 $0x2E00, s19;
	s31 =	sshrl.u32 s30, $0x3;
	s20 =	sadd.s32 $0x100, s20  }
0x81: {  	[tilespmem:s29], [sflag:$0x1] =	stream.linear.gather [hbm4b:s20+s4], $0x80, $0x38;
	[tilespmem:$0x19900] =	vst v63  }
0x82: {  	s21 =	smul.u32 $0xC00, s31;
	s20 =	sshll.u32 s30, $0x7  }
0x83: {  	(v2sf) =	vpush v0, $0xD;
	s20 =	sand.u32 $0x380, s20  }
0x84: {  	s20 =	sor.u32 s20, s21  }
0x85: {  	s20 =	sshrl.u32 s20, $0x3  }
0x86: {  	s22 =	sadd.s32 $0x2680, s19;
	s20 =	sadd.s32 s2, s20  }
0x87: {  	[tilespmem:s22], [sflag:$0x1] =	stream.linear.gather [hbm4b:s20+s4], $0x80, $0x38;
	[tilespmem:$0x19900] =	vst v63  }
0x88: {  	s24 =	sadd.s32 $0x2A80, s19;
	s26 =	spop (v2sf);
	s23 =	sadd.s32 $0x80, s20  }
0x89: {  	[tilespmem:s24], [sflag:$0x1] =	stream.linear.gather [hbm4b:s23+s4], $0x80, $0x38;
	[tilespmem:$0x19900] =	vst v63  }
0x8a: {  	s25 =	sadd.s32 $0x2E80, s19;
	s28 =	sshrl.u32 s26, $0x3;
	s20 =	sadd.s32 $0x100, s20  }
0x8b: {  	[tilespmem:s25], [sflag:$0x1] =	stream.linear.gather [hbm4b:s20+s4], $0x80, $0x38;
	[tilespmem:$0x19900] =	vst v63  }
0x8c: {  	s21 =	smul.u32 $0xC00, s28;
	s20 =	sshll.u32 s26, $0x7  }
0x8d: {  	(v2sf) =	vpush v0, $0xE;
	s20 =	sand.u32 $0x380, s20  }
0x8e: {  	s20 =	sor.u32 s20, s21  }
0x8f: {  	s20 =	sshrl.u32 s20, $0x3  }
0x90: {  	s29 =	sadd.s32 $0x2700, s19;
	s20 =	sadd.s32 s2, s20  }
0x91: {  	[tilespmem:s29], [sflag:$0x1] =	stream.linear.gather [hbm4b:s20+s4], $0x80, $0x38;
	[tilespmem:$0x19900] =	vst v63  }
0x92: {  	s31 =	sadd.s32 $0x2B00, s19;
	s23 =	spop (v2sf);
	s30 =	sadd.s32 $0x80, s20  }
0x93: {  	[tilespmem:s31], [sflag:$0x1] =	stream.linear.gather [hbm4b:s30+s4], $0x80, $0x38;
	[tilespmem:$0x19900] =	vst v63  }
0x94: {  	s22 =	sadd.s32 $0x2F00, s19;
	s24 =	sshrl.u32 s23, $0x3;
	s20 =	sadd.s32 $0x100, s20  }
0x95: {  	[tilespmem:s22], [sflag:$0x1] =	stream.linear.gather [hbm4b:s20+s4], $0x80, $0x38;
	[tilespmem:$0x19900] =	vst v63  }
0x96: {  	s21 =	smul.u32 $0xC00, s24;
	s20 =	sshll.u32 s23, $0x7  }
0x97: {  	(v2sf) =	vpush v0, $0xF;
	s20 =	sand.u32 $0x380, s20  }
0x98: {  	s20 =	sor.u32 s20, s21  }
0x99: {  	s20 =	sshrl.u32 s20, $0x3  }
0x9a: {  	s25 =	sadd.s32 $0x2780, s19;
	s20 =	sadd.s32 s2, s20  }
0x9b: {  	[tilespmem:s25], [sflag:$0x1] =	stream.linear.gather [hbm4b:s20+s4], $0x80, $0x38;
	[tilespmem:$0x19900] =	vst v63  }
0x9c: {  	s28 =	sadd.s32 $0x2B80, s19;
	s29 =	spop (v2sf);
	s26 =	sadd.s32 $0x80, s20  }
0x9d: {  	[tilespmem:s28], [sflag:$0x1] =	stream.linear.gather [hbm4b:s26+s4], $0x80, $0x38;
	[tilespmem:$0x19900] =	vst v63  }
0x9e: {  	s30 =	sadd.s32 $0x2F80, s19;
	s31 =	sshrl.u32 s29, $0x3;
	s20 =	sadd.s32 $0x100, s20  }
0x9f: {  	[tilespmem:s30], [sflag:$0x1] =	stream.linear.gather [hbm4b:s20+s4], $0x80, $0x38;
	[tilespmem:$0x19900] =	vst v63  }
0xa0: {  	s21 =	sshll.u32 s29, $0x7;
	s20 =	smul.u32 $0xC00, s31  }
0xa1: {  	s21 =	sand.u32 $0x380, s21  }
0xa2: {  	s20 =	sor.u32 s21, s20  }
0xa3: {  	s20 =	sshrl.u32 s20, $0x3  }
0xa4: {  	s22 =	sadd.s32 $0x2800, s19;
	s20 =	sadd.s32 s2, s20  }
0xa5: {  	[tilespmem:s22], [sflag:$0x1] =	stream.linear.gather [hbm4b:s20+s4], $0x80, $0x38;
	[tilespmem:$0x19900] =	vst v63  }
0xa6: {  	s24 =	sadd.s32 $0x2C00, s19;
	s26 =	spop (v2sf);
	s23 =	sadd.s32 $0x80, s20  }
0xa7: {  	[tilespmem:s24], [sflag:$0x1] =	stream.linear.gather [hbm4b:s23+s4], $0x80, $0x38;
	[tilespmem:$0x19900] =	vst v63  }
0xa8: {  	s25 =	sadd.s32 $0x3000, s19;
	s28 =	sshrl.u32 s26, $0x3;
	s20 =	sadd.s32 $0x100, s20  }
0xa9: {  	[tilespmem:s25], [sflag:$0x1] =	stream.linear.gather [hbm4b:s20+s4], $0x80, $0x38;
	[tilespmem:$0x19900] =	vst v63  }
0xaa: {  	s21 =	smul.u32 $0xC00, s28;
	s20 =	sshll.u32 s26, $0x7  }
0xab: {  	s20 =	sand.u32 $0x380, s20  }
0xac: {  	s20 =	sor.u32 s20, s21  }
0xad: {  	s20 =	sshrl.u32 s20, $0x3  }
0xae: {  	p0 =	sne.s32 s17, $0x2A000;
	s29 =	sadd.s32 $0x2880, s19;
	s20 =	sadd.s32 s2, s20  }
0xaf: {  	[tilespmem:s29], [sflag:$0x1] =	stream.linear.gather [hbm4b:s20+s4], $0x80, $0x38;
	[tilespmem:$0x19900] =	vst v63  }
.Ltmp0:
0xb0: {  	_ = 	snop;
	(pc) =	sbr.rel @p0 .LBB2_3-.Ltmp0, $4  }
0xb1: {  	s18 =	sadd.s32 $0x10, s18;
	s31 =	sadd.s32 $0x2C80, s19;
	s30 =	sadd.s32 $0x80, s20  }
0xb2: {  	[tilespmem:s31], [sflag:$0x1] =	stream.linear.gather [hbm4b:s30+s4], $0x80, $0x38;
	[tilespmem:$0x19900] =	vst v63  }
0xb3: {  	s17 =	sadd.s32 $0x6000, s17;
	s19 =	sadd.s32 $0x3080, s19;
	s20 =	sadd.s32 $0x100, s20  }
0xb4: {  	[tilespmem:s19], [sflag:$0x1] =	stream.linear.gather [hbm4b:s20+s4], $0x80, $0x38;
	[tilespmem:$0x19900] =	vst v63  }
0xb5: {  	s17 =	sshllo.u32 s16, $0x1;
	s18 =	simm.s32 $0x0;
	s19 =	smov.u32 s14  }
.LBB2_5:
0xb6: {  	v0 =	vld [tilespmem:s19+$0x0];
	_ =	sdelay $0x4  }
0xb7: {  	(v2sf) =	vpush v0, $0x0;
	_ =	sdelay $0x7  }
0xb8: {  	(v2sf) =	vpush v0, $0x1;
	_ =	sdelay $0x6  }
0xb9: {  	s20 =	spop (v2sf)  }
0xba: {  	s21 =	sshrl.u32 s20, $0x3  }
0xbb: {  	s20 =	sshll.u32 s20, $0x7;
	s21 =	smul.u32 $0xC00, s21  }
0xbc: {  	(v2sf) =	vpush v0, $0x2;
	s20 =	sand.u32 $0x380, s20  }
0xbd: {  	s21 =	sor.u32 s20, s21  }
0xbe: {  	s20 =	sshra.s32 s18, $0x2;
	s21 =	sshrl.u32 s21, $0x3  }
0xbf: {  	s22 =	sadd.s32 $0xD900, s20;
	s21 =	sadd.s32 s2, s21  }
0xc0: {  	[tilespmem:s22], [sflag:$0x2] =	stream.linear.gather [hbm4b:s21+s4], $0x80, $0x38;
	[tilespmem:$0x19900] =	vst v63  }
0xc1: {  	s31 =	spop (v2sf);
	s23 =	sadd.s32 $0xDD00, s20;
	s29 =	sadd.s32 $0x80, s21  }
0xc2: {  	[tilespmem:s23], [sflag:$0x2] =	stream.linear.gather [hbm4b:s29+s4], $0x80, $0x38;
	[tilespmem:$0x19900] =	vst v63  }
0xc3: {  	s30 =	sadd.s32 $0xE100, s20;
	s21 =	sadd.s32 $0x100, s21;
	s23 =	sshrl.u32 s31, $0x3  }
0xc4: {  	[tilespmem:s30], [sflag:$0x2] =	stream.linear.gather [hbm4b:s21+s4], $0x80, $0x38;
	[tilespmem:$0x19900] =	vst v63  }
0xc5: {  	s22 =	smul.u32 $0xC00, s23;
	s21 =	sshll.u32 s31, $0x7  }
0xc6: {  	(v2sf) =	vpush v0, $0x3;
	s21 =	sand.u32 $0x380, s21  }
0xc7: {  	s21 =	sor.u32 s21, s22  }
0xc8: {  	s21 =	sshrl.u32 s21, $0x3  }
0xc9: {  	s24 =	sadd.s32 $0xD980, s20;
	s21 =	sadd.s32 s2, s21  }
0xca: {  	[tilespmem:s24], [sflag:$0x2] =	stream.linear.gather [hbm4b:s21+s4], $0x80, $0x38;
	[tilespmem:$0x19900] =	vst v63  }
0xcb: {  	s26 =	sadd.s32 $0xDD80, s20;
	s29 =	spop (v2sf);
	s25 =	sadd.s32 $0x80, s21  }
0xcc: {  	[tilespmem:s26], [sflag:$0x2] =	stream.linear.gather [hbm4b:s25+s4], $0x80, $0x38;
	[tilespmem:$0x19900] =	vst v63  }
0xcd: {  	s28 =	sadd.s32 $0xE180, s20;
	s21 =	sadd.s32 $0x100, s21;
	s30 =	sshrl.u32 s29, $0x3  }
0xce: {  	[tilespmem:s28], [sflag:$0x2] =	stream.linear.gather [hbm4b:s21+s4], $0x80, $0x38;
	[tilespmem:$0x19900] =	vst v63  }
0xcf: {  	s22 =	smul.u32 $0xC00, s30;
	s21 =	sshll.u32 s29, $0x7  }
0xd0: {  	(v2sf) =	vpush v0, $0x4;
	s21 =	sand.u32 $0x380, s21  }
0xd1: {  	s21 =	sor.u32 s21, s22  }
0xd2: {  	s21 =	sshrl.u32 s21, $0x3  }
0xd3: {  	s31 =	sadd.s32 $0xDA00, s20;
	s21 =	sadd.s32 s2, s21  }
0xd4: {  	[tilespmem:s31], [sflag:$0x2] =	stream.linear.gather [hbm4b:s21+s4], $0x80, $0x38;
	[tilespmem:$0x19900] =	vst v63  }
0xd5: {  	s24 =	sadd.s32 $0xDE00, s20;
	s26 =	spop (v2sf);
	s23 =	sadd.s32 $0x80, s21  }
0xd6: {  	[tilespmem:s24], [sflag:$0x2] =	stream.linear.gather [hbm4b:s23+s4], $0x80, $0x38;
	[tilespmem:$0x19900] =	vst v63  }
0xd7: {  	s25 =	sadd.s32 $0xE200, s20;
	s28 =	sshrl.u32 s26, $0x3;
	s21 =	sadd.s32 $0x100, s21  }
0xd8: {  	[tilespmem:s25], [sflag:$0x2] =	stream.linear.gather [hbm4b:s21+s4], $0x80, $0x38;
	[tilespmem:$0x19900] =	vst v63  }
0xd9: {  	s22 =	smul.u32 $0xC00, s28;
	s21 =	sshll.u32 s26, $0x7  }
0xda: {  	(v2sf) =	vpush v0, $0x5;
	s21 =	sand.u32 $0x380, s21  }
0xdb: {  	s21 =	sor.u32 s21, s22  }
0xdc: {  	s21 =	sshrl.u32 s21, $0x3  }
0xdd: {  	s29 =	sadd.s32 $0xDA80, s20;
	s21 =	sadd.s32 s2, s21  }
0xde: {  	[tilespmem:s29], [sflag:$0x2] =	stream.linear.gather [hbm4b:s21+s4], $0x80, $0x38;
	[tilespmem:$0x19900] =	vst v63  }
0xdf: {  	s31 =	sadd.s32 $0xDE80, s20;
	s24 =	spop (v2sf);
	s30 =	sadd.s32 $0x80, s21  }
0xe0: {  	[tilespmem:s31], [sflag:$0x2] =	stream.linear.gather [hbm4b:s30+s4], $0x80, $0x38;
	[tilespmem:$0x19900] =	vst v63  }
0xe1: {  	s23 =	sadd.s32 $0xE280, s20;
	s25 =	sshrl.u32 s24, $0x3;
	s21 =	sadd.s32 $0x100, s21  }
0xe2: {  	[tilespmem:s23], [sflag:$0x2] =	stream.linear.gather [hbm4b:s21+s4], $0x80, $0x38;
	[tilespmem:$0x19900] =	vst v63  }
0xe3: {  	s22 =	smul.u32 $0xC00, s25;
	s21 =	sshll.u32 s24, $0x7  }
0xe4: {  	(v2sf) =	vpush v0, $0x6;
	s21 =	sand.u32 $0x380, s21  }
0xe5: {  	s21 =	sor.u32 s21, s22  }
0xe6: {  	s21 =	sshrl.u32 s21, $0x3  }
0xe7: {  	s26 =	sadd.s32 $0xDB00, s20;
	s21 =	sadd.s32 s2, s21  }
0xe8: {  	[tilespmem:s26], [sflag:$0x2] =	stream.linear.gather [hbm4b:s21+s4], $0x80, $0x38;
	[tilespmem:$0x19900] =	vst v63  }
0xe9: {  	s29 =	sadd.s32 $0xDF00, s20;
	s31 =	spop (v2sf);
	s28 =	sadd.s32 $0x80, s21  }
0xea: {  	[tilespmem:s29], [sflag:$0x2] =	stream.linear.gather [hbm4b:s28+s4], $0x80, $0x38;
	[tilespmem:$0x19900] =	vst v63  }
0xeb: {  	s30 =	sadd.s32 $0xE300, s20;
	s23 =	sshrl.u32 s31, $0x3;
	s21 =	sadd.s32 $0x100, s21  }
0xec: {  	[tilespmem:s30], [sflag:$0x2] =	stream.linear.gather [hbm4b:s21+s4], $0x80, $0x38;
	[tilespmem:$0x19900] =	vst v63  }
0xed: {  	s22 =	smul.u32 $0xC00, s23;
	s21 =	sshll.u32 s31, $0x7  }
0xee: {  	(v2sf) =	vpush v0, $0x7;
	s21 =	sand.u32 $0x380, s21  }
0xef: {  	s21 =	sor.u32 s21, s22  }
0xf0: {  	s21 =	sshrl.u32 s21, $0x3  }
0xf1: {  	s24 =	sadd.s32 $0xDB80, s20;
	s21 =	sadd.s32 s2, s21  }
0xf2: {  	[tilespmem:s24], [sflag:$0x2] =	stream.linear.gather [hbm4b:s21+s4], $0x80, $0x38;
	[tilespmem:$0x19900] =	vst v63  }
0xf3: {  	s26 =	sadd.s32 $0xDF80, s20;
	s29 =	spop (v2sf);
	s25 =	sadd.s32 $0x80, s21  }
0xf4: {  	[tilespmem:s26], [sflag:$0x2] =	stream.linear.gather [hbm4b:s25+s4], $0x80, $0x38;
	[tilespmem:$0x19900] =	vst v63  }
0xf5: {  	s28 =	sadd.s32 $0xE380, s20;
	s30 =	sshrl.u32 s29, $0x3;
	s21 =	sadd.s32 $0x100, s21  }
0xf6: {  	[tilespmem:s28], [sflag:$0x2] =	stream.linear.gather [hbm4b:s21+s4], $0x80, $0x38;
	[tilespmem:$0x19900] =	vst v63  }
0xf7: {  	s22 =	smul.u32 $0xC00, s30;
	s21 =	sshll.u32 s29, $0x7  }
0xf8: {  	(v2sf) =	vpush v0, $0x8;
	s21 =	sand.u32 $0x380, s21  }
0xf9: {  	s21 =	sor.u32 s21, s22  }
0xfa: {  	s21 =	sshrl.u32 s21, $0x3  }
0xfb: {  	s31 =	sadd.s32 $0xDC00, s20;
	s21 =	sadd.s32 s2, s21  }
0xfc: {  	[tilespmem:s31], [sflag:$0x2] =	stream.linear.gather [hbm4b:s21+s4], $0x80, $0x38;
	[tilespmem:$0x19900] =	vst v63  }
0xfd: {  	s24 =	sadd.s32 $0xE000, s20;
	s26 =	spop (v2sf);
	s23 =	sadd.s32 $0x80, s21  }
0xfe: {  	[tilespmem:s24], [sflag:$0x2] =	stream.linear.gather [hbm4b:s23+s4], $0x80, $0x38;
	[tilespmem:$0x19900] =	vst v63  }
0xff: {  	s25 =	sadd.s32 $0xE400, s20;
	s28 =	sshrl.u32 s26, $0x3;
	s21 =	sadd.s32 $0x100, s21  }
0x100: {  	[tilespmem:s25], [sflag:$0x2] =	stream.linear.gather [hbm4b:s21+s4], $0x80, $0x38;
	[tilespmem:$0x19900] =	vst v63  }
0x101: {  	s22 =	smul.u32 $0xC00, s28;
	s21 =	sshll.u32 s26, $0x7  }
0x102: {  	(v2sf) =	vpush v0, $0x9;
	s21 =	sand.u32 $0x380, s21  }
0x103: {  	s21 =	sor.u32 s21, s22  }
0x104: {  	s21 =	sshrl.u32 s21, $0x3  }
0x105: {  	s29 =	sadd.s32 $0xDC80, s20;
	s21 =	sadd.s32 s2, s21  }
0x106: {  	[tilespmem:s29], [sflag:$0x2] =	stream.linear.gather [hbm4b:s21+s4], $0x80, $0x38;
	[tilespmem:$0x19900] =	vst v63  }
0x107: {  	s31 =	sadd.s32 $0xE080, s20;
	s24 =	spop (v2sf);
	s30 =	sadd.s32 $0x80, s21  }
0x108: {  	[tilespmem:s31], [sflag:$0x2] =	stream.linear.gather [hbm4b:s30+s4], $0x80, $0x38;
	[tilespmem:$0x19900] =	vst v63  }
0x109: {  	s23 =	sadd.s32 $0xE480, s20;
	s25 =	sshrl.u32 s24, $0x3;
	s21 =	sadd.s32 $0x100, s21  }
0x10a: {  	[tilespmem:s23], [sflag:$0x2] =	stream.linear.gather [hbm4b:s21+s4], $0x80, $0x38;
	[tilespmem:$0x19900] =	vst v63  }
0x10b: {  	s22 =	smul.u32 $0xC00, s25;
	s21 =	sshll.u32 s24, $0x7  }
0x10c: {  	(v2sf) =	vpush v0, $0xA;
	s21 =	sand.u32 $0x380, s21  }
0x10d: {  	s21 =	sor.u32 s21, s22  }
0x10e: {  	s21 =	sshrl.u32 s21, $0x3  }
0x10f: {  	s26 =	sadd.s32 $0xE500, s20;
	s21 =	sadd.s32 s2, s21  }
0x110: {  	[tilespmem:s26], [sflag:$0x2] =	stream.linear.gather [hbm4b:s21+s4], $0x80, $0x38;
	[tilespmem:$0x19900] =	vst v63  }
0x111: {  	s29 =	sadd.s32 $0xE900, s20;
	s31 =	spop (v2sf);
	s28 =	sadd.s32 $0x80, s21  }
0x112: {  	[tilespmem:s29], [sflag:$0x2] =	stream.linear.gather [hbm4b:s28+s4], $0x80, $0x38;
	[tilespmem:$0x19900] =	vst v63  }
0x113: {  	s30 =	sadd.s32 $0xED00, s20;
	s23 =	sshrl.u32 s31, $0x3;
	s21 =	sadd.s32 $0x100, s21  }
0x114: {  	[tilespmem:s30], [sflag:$0x2] =	stream.linear.gather [hbm4b:s21+s4], $0x80, $0x38;
	[tilespmem:$0x19900] =	vst v63  }
0x115: {  	s22 =	smul.u32 $0xC00, s23;
	s21 =	sshll.u32 s31, $0x7  }
0x116: {  	(v2sf) =	vpush v0, $0xB;
	s21 =	sand.u32 $0x380, s21  }
0x117: {  	s21 =	sor.u32 s21, s22  }
0x118: {  	s21 =	sshrl.u32 s21, $0x3  }
0x119: {  	s24 =	sadd.s32 $0xE580, s20;
	s21 =	sadd.s32 s2, s21  }
0x11a: {  	[tilespmem:s24], [sflag:$0x2] =	stream.linear.gather [hbm4b:s21+s4], $0x80, $0x38;
	[tilespmem:$0x19900] =	vst v63  }
0x11b: {  	s26 =	sadd.s32 $0xE980, s20;
	s29 =	spop (v2sf);
	s25 =	sadd.s32 $0x80, s21  }
0x11c: {  	[tilespmem:s26], [sflag:$0x2] =	stream.linear.gather [hbm4b:s25+s4], $0x80, $0x38;
	[tilespmem:$0x19900] =	vst v63  }
0x11d: {  	s28 =	sadd.s32 $0xED80, s20;
	s30 =	sshrl.u32 s29, $0x3;
	s21 =	sadd.s32 $0x100, s21  }
0x11e: {  	[tilespmem:s28], [sflag:$0x2] =	stream.linear.gather [hbm4b:s21+s4], $0x80, $0x38;
	[tilespmem:$0x19900] =	vst v63  }
0x11f: {  	s22 =	smul.u32 $0xC00, s30;
	s21 =	sshll.u32 s29, $0x7  }
0x120: {  	(v2sf) =	vpush v0, $0xC;
	s21 =	sand.u32 $0x380, s21  }
0x121: {  	s21 =	sor.u32 s21, s22  }
0x122: {  	s21 =	sshrl.u32 s21, $0x3  }
0x123: {  	s31 =	sadd.s32 $0xE600, s20;
	s21 =	sadd.s32 s2, s21  }
0x124: {  	[tilespmem:s31], [sflag:$0x2] =	stream.linear.gather [hbm4b:s21+s4], $0x80, $0x38;
	[tilespmem:$0x19900] =	vst v63  }
0x125: {  	s24 =	sadd.s32 $0xEA00, s20;
	s26 =	spop (v2sf);
	s23 =	sadd.s32 $0x80, s21  }
0x126: {  	[tilespmem:s24], [sflag:$0x2] =	stream.linear.gather [hbm4b:s23+s4], $0x80, $0x38;
	[tilespmem:$0x19900] =	vst v63  }
0x127: {  	s25 =	sadd.s32 $0xEE00, s20;
	s28 =	sshrl.u32 s26, $0x3;
	s21 =	sadd.s32 $0x100, s21  }
0x128: {  	[tilespmem:s25], [sflag:$0x2] =	stream.linear.gather [hbm4b:s21+s4], $0x80, $0x38;
	[tilespmem:$0x19900] =	vst v63  }
0x129: {  	s22 =	smul.u32 $0xC00, s28;
	s21 =	sshll.u32 s26, $0x7  }
0x12a: {  	(v2sf) =	vpush v0, $0xD;
	s21 =	sand.u32 $0x380, s21  }
0x12b: {  	s21 =	sor.u32 s21, s22  }
0x12c: {  	s21 =	sshrl.u32 s21, $0x3  }
0x12d: {  	s29 =	sadd.s32 $0xE680, s20;
	s21 =	sadd.s32 s2, s21  }
0x12e: {  	[tilespmem:s29], [sflag:$0x2] =	stream.linear.gather [hbm4b:s21+s4], $0x80, $0x38;
	[tilespmem:$0x19900] =	vst v63  }
0x12f: {  	s31 =	sadd.s32 $0xEA80, s20;
	s24 =	spop (v2sf);
	s30 =	sadd.s32 $0x80, s21  }
0x130: {  	[tilespmem:s31], [sflag:$0x2] =	stream.linear.gather [hbm4b:s30+s4], $0x80, $0x38;
	[tilespmem:$0x19900] =	vst v63  }
0x131: {  	s23 =	sadd.s32 $0xEE80, s20;
	s25 =	sshrl.u32 s24, $0x3;
	s21 =	sadd.s32 $0x100, s21  }
0x132: {  	[tilespmem:s23], [sflag:$0x2] =	stream.linear.gather [hbm4b:s21+s4], $0x80, $0x38;
	[tilespmem:$0x19900] =	vst v63  }
0x133: {  	s22 =	smul.u32 $0xC00, s25;
	s21 =	sshll.u32 s24, $0x7  }
0x134: {  	(v2sf) =	vpush v0, $0xE;
	s21 =	sand.u32 $0x380, s21  }
0x135: {  	s21 =	sor.u32 s21, s22  }
0x136: {  	s21 =	sshrl.u32 s21, $0x3  }
0x137: {  	s26 =	sadd.s32 $0xE700, s20;
	s21 =	sadd.s32 s2, s21  }
0x138: {  	[tilespmem:s26], [sflag:$0x2] =	stream.linear.gather [hbm4b:s21+s4], $0x80, $0x38;
	[tilespmem:$0x19900] =	vst v63  }
0x139: {  	s29 =	sadd.s32 $0xEB00, s20;
	s31 =	spop (v2sf);
	s28 =	sadd.s32 $0x80, s21  }
0x13a: {  	[tilespmem:s29], [sflag:$0x2] =	stream.linear.gather [hbm4b:s28+s4], $0x80, $0x38;
	[tilespmem:$0x19900] =	vst v63  }
0x13b: {  	s30 =	sadd.s32 $0xEF00, s20;
	s23 =	sshrl.u32 s31, $0x3;
	s21 =	sadd.s32 $0x100, s21  }
0x13c: {  	[tilespmem:s30], [sflag:$0x2] =	stream.linear.gather [hbm4b:s21+s4], $0x80, $0x38;
	[tilespmem:$0x19900] =	vst v63  }
0x13d: {  	s22 =	smul.u32 $0xC00, s23;
	s21 =	sshll.u32 s31, $0x7  }
0x13e: {  	(v2sf) =	vpush v0, $0xF;
	s21 =	sand.u32 $0x380, s21  }
0x13f: {  	s21 =	sor.u32 s21, s22  }
0x140: {  	s21 =	sshrl.u32 s21, $0x3  }
0x141: {  	s24 =	sadd.s32 $0xE780, s20;
	s21 =	sadd.s32 s2, s21  }
0x142: {  	[tilespmem:s24], [sflag:$0x2] =	stream.linear.gather [hbm4b:s21+s4], $0x80, $0x38;
	[tilespmem:$0x19900] =	vst v63  }
0x143: {  	s26 =	sadd.s32 $0xEB80, s20;
	s28 =	spop (v2sf);
	s25 =	sadd.s32 $0x80, s21  }
0x144: {  	[tilespmem:s26], [sflag:$0x2] =	stream.linear.gather [hbm4b:s25+s4], $0x80, $0x38;
	[tilespmem:$0x19900] =	vst v63  }
0x145: {  	s29 =	sadd.s32 $0xEF80, s20;
	s30 =	sshrl.u32 s28, $0x3;
	s21 =	sadd.s32 $0x100, s21  }
0x146: {  	[tilespmem:s29], [sflag:$0x2] =	stream.linear.gather [hbm4b:s21+s4], $0x80, $0x38;
	[tilespmem:$0x19900] =	vst v63  }
0x147: {  	s22 =	sshll.u32 s28, $0x7;
	s21 =	smul.u32 $0xC00, s30  }
0x148: {  	s22 =	sand.u32 $0x380, s22  }
0x149: {  	s21 =	sor.u32 s22, s21  }
0x14a: {  	s21 =	sshrl.u32 s21, $0x3  }
0x14b: {  	s31 =	sadd.s32 $0xE800, s20;
	s21 =	sadd.s32 s2, s21  }
0x14c: {  	[tilespmem:s31], [sflag:$0x2] =	stream.linear.gather [hbm4b:s21+s4], $0x80, $0x38;
	[tilespmem:$0x19900] =	vst v63  }
0x14d: {  	s24 =	sadd.s32 $0xEC00, s20;
	s26 =	spop (v2sf);
	s23 =	sadd.s32 $0x80, s21  }
0x14e: {  	[tilespmem:s24], [sflag:$0x2] =	stream.linear.gather [hbm4b:s23+s4], $0x80, $0x38;
	[tilespmem:$0x19900] =	vst v63  }
0x14f: {  	s25 =	sadd.s32 $0xF000, s20;
	s28 =	sshrl.u32 s26, $0x3;
	s21 =	sadd.s32 $0x100, s21  }
0x150: {  	[tilespmem:s25], [sflag:$0x2] =	stream.linear.gather [hbm4b:s21+s4], $0x80, $0x38;
	[tilespmem:$0x19900] =	vst v63  }
0x151: {  	s22 =	smul.u32 $0xC00, s28;
	s21 =	sshll.u32 s26, $0x7  }
0x152: {  	s21 =	sand.u32 $0x380, s21  }
0x153: {  	s21 =	sor.u32 s21, s22  }
0x154: {  	s21 =	sshrl.u32 s21, $0x3  }
0x155: {  	p0 =	sne.s32 s18, $0x2A000;
	s29 =	sadd.s32 $0xE880, s20;
	s21 =	sadd.s32 s2, s21  }
0x156: {  	[tilespmem:s29], [sflag:$0x2] =	stream.linear.gather [hbm4b:s21+s4], $0x80, $0x38;
	[tilespmem:$0x19900] =	vst v63  }
.Ltmp1:
0x157: {  	_ = 	snop;
	(pc) =	sbr.rel @p0 .LBB2_5-.Ltmp1, $4  }
0x158: {  	s19 =	sadd.s32 $0x10, s19;
	s31 =	sadd.s32 $0xEC80, s20;
	s30 =	sadd.s32 $0x80, s21  }
0x159: {  	[tilespmem:s31], [sflag:$0x2] =	stream.linear.gather [hbm4b:s30+s4], $0x80, $0x38;
	[tilespmem:$0x19900] =	vst v63  }
0x15a: {  	s18 =	sadd.s32 $0x6000, s18;
	s20 =	sadd.s32 $0xF080, s20;
	s21 =	sadd.s32 $0x100, s21  }
0x15b: {  	[tilespmem:s20], [sflag:$0x2] =	stream.linear.gather [hbm4b:s21+s4], $0x80, $0x38;
	[tilespmem:$0x19900] =	vst v63  }
0x15c: {  	s18 =	sshll.u32 s16, $0x8  }
0x15d: {  	s18 =	sadd.s32 s3, s18  }
0x15e: {  	s18 =	sshrl.u32 s18, $0x3  }
0x15f: {  	_ =	swait.ge [sflag:s9], $0xC000;
	s18 =	smul.u32 $0x180, s18  }
0x160: {  	[sflag:s9] =	ssyncset.done $0x0  }
0x161: {  	[sflag:s9] =	ssyncadd.s32 $0xFFFF4000;
	s18 =	sadd.s32 s5, s18  }
0x162: {  	[hbm4b:s18+s4] =	stream.linear.scatter [tilespmem:s10], [sflag:$0x3], $0xC000, $0x38;
	[tilespmem:$0x19900] =	vst v63  }
0x163: {  	s17 =	sshll.u32 s17, $0x7;
	_ =	swait.ge [sflag:s8], $0xC000  }
0x164: {  	s17 =	sadd.s32 s3, s17;
	[sflag:s8] =	ssyncset.done $0x0  }
0x165: {  	s17 =	sshrl.u32 s17, $0x3;
	[sflag:s8] =	ssyncadd.s32 $0xFFFF4000  }
0x166: {  	s16 =	sadd.s32 $0x1, s16;
	s17 =	smul.u32 $0x180, s17;
	_ =	swait.ge [sflag:s11], $0xC000  }
0x167: {  	p0 =	sne.s32 s16, $0x19;
	[sflag:s11] =	ssyncset.done $0x0  }
.Ltmp2:
0x168: {  	s17 =	sadd.s32 s5, s17;
	[sflag:s11] =	ssyncadd.s32 $0xFFFF4000;
	(pc) =	sbr.rel @p0 .LBB2_2-.Ltmp2, $4  }
0x169: {  	[hbm4b:s17+s4] =	stream.linear.scatter [tilespmem:s12], [sflag:$0x3], $0xC000, $0x38;
	[tilespmem:$0x19900] =	vst v63  }
0x16a: {  	_ =	swait.ge [sflag:s8], $0xC000  }
0x16b: {  	[sflag:s8] =	ssyncset.done $0x0  }
0x16c: {  	s15 =	sadd.s32 $0x100, s15;
	s14 =	sadd.s32 $0x100, s14;
	[sflag:s8] =	ssyncadd.s32 $0xFFFF4000  }
0x16d: {  	s13 =	sadd.s32 $0x1, s13  }
0x16e: {  	p0 =	sne.s32 s13, s7  }
.Ltmp3:
0x16f: {  	_ = 	snop;
	(pc) =	sbr.rel @p0 .LBB2_1-.Ltmp3, $1  }
0x170: {  	_ =	sdelay $0x3  }
0x171: {  	_ =	sfence.sel $0x180000  }
0x172: {  	[bflag:$0x0] =	sbarrier.arrive $0xFFFF  }
0x173: {  	p0 =	sne.s32 s0, $0x0;
	_ =	strace $0x90000047  }
0x174: {  	s0 =	sadd.s32 @!p0 $0x100000, s1;
	[bflag:$0x2] =	sbarrier.arrive $0xFFFF  }
0x175: {  	[sflag:s0] =	ssyncadd.tile.s32 @!p0 $0x1;
	_ =	shalt  }
.Lfunc_end2:
_tile_overlayer_lowered:
.L_overlay_start_2:
0x176: {  	(tag) =	ssettag $0x2  }
0x177: {  	s0 =	rddreg [dreg:$0x0];
	s2 =	stileid.u32  }
0x178: {  	s1 =	rddreg [dreg:$0x1];
	p0 =	sne.s32 s2, $0x0  }
0x179: {  	s3 =	rddreg [dreg:$0x2];
	[bflag:$0x3] =	sbarrier.arrive $0xFFFF;
	s2 =	simm.s32 @!p0 $0x1C03  }
0x17a: {  	[timem:s3], [sflag:s2] =	dma.local @!p0 [hbm:s0], s1  }
0x17b: {  	s0 =	simm.s32 @!p0 $0x3  }
0x17c: {  	_ =	swait.ge @!p0 [sflag:s0], s1  }
0x17d: {  	s1 =	ssub.s32 @!p0 $0x0, s1;
	[sflag:s0] =	ssyncset.done @!p0 $0x0  }
0x17e: {  	[sflag:s0] =	ssyncadd.s32 @!p0 s1  }
0x17f: {  	[bflag:$0x3] =	sbarrier.arrive $0xFFFF  }
0x180: {  	_ =	shalt  }

// kernel: sparse-core-data-format-call.cloned.1.call-start
scs
called_computation_lowered:
.L_overlay_start_0:
0x0: {  	s2 =	sld [smem:$0x3FD9]  }
0x1: {  	s3 =	sld [smem:$0x3FFE];
	_ =	sdelay $0x1  }
0x2: {  	s1 =	srdreg.scid  }
0x3: {  	s0 =	sand.u32 $0x1, s1  }
0x4: {  	s18 =	sshll.u32 s0, $0xA;
	s2 =	sadd.s32 s3, s2  }
0x5: {  	s2 =	sadd.s32 s2, s18  }
0x6: {  	[smem:$0x3FC6] =	sst s2  }
0x7: {  	_ = 	snop  }
0x8: {  	s2 =	sld [smem:$0x3FD0];
	(tm) =	ssettm $0x1  }
0x9: {  	s19 =	sld [smem:$0x3FFB];
	_ =	sdelay $0x3  }
0xa: {  	_ =	strace s19  }
0xb: {  	s3 =	sld [smem:$0x3FFC];
	_ =	sdelay $0x3  }
0xc: {  	_ =	strace s3  }
0xd: {  	s3 =	sld [smem:$0x3FFD];
	_ =	sdelay $0x3  }
0xe: {  	_ =	strace s3  }
0xf: {  	_ =	strace $0x8FFFFFFF  }
0x10: {  	s20 =	sld [smem:$0x3FDB];
	_ =	sdelay $0x1  }
0x11: {  	s4 =	simm.s32 $_scs_section_size  }
0x12: {  	s5 =	simm.s32 $_size__tile_overlayer_lowered;
	s6 =	simm.s32 $_tile_overlayer_lowered  }
0x13: {  	s23 =	simm.s32 $0x1BFF;
	s22 =	sshll.u32 s6, $0x1;
	s3 =	sadd.s32 s4, s20  }
0x14: {  	s7 =	simm.s32 $0x0;
	s21 =	sshll.u32 s5, $0x1;
	s5 =	sadd.s32 s22, s3  }
0x15: {  	[timem:s7], [sflag:s23] =	dma.local [hbm:s5], s21  }
0x16: {  	_ =	swait.ge [sflag:s23], s21  }
0x17: {  	s4 =	ssub.s32 $0x0, s21;
	[sflag:s23] =	ssyncset.done $0x0  }
0x18: {  	[sflag:s23] =	ssyncadd.s32 s4;
	_ =	sdelay $0x1  }
0x19: {  	s24 =	simm.s32 $0x1B8B  }
0x1a: {  	_ =	swait.ge [sflag:s24], $0x1  }
0x1b: {  	[sflag:s24] =	ssyncset.done $0x0  }
0x1c: {  	s26 =	simm.s32 $0x1B8E;
	s25 =	sld [smem:$0x3FFE];
	[sflag:s24] =	ssyncadd.s32 $0xFFFFFFFF  }
0x1d: {  	s27 =	simm.s32 $execute0_lowered;
	[smem:$0x3FD2] =	sst s26  }
0x1e: {  	s5 =	sshll.u32 s27, $0x1;
	_ =	strace $0x80000049;
	[dreg:$0x1] =	wrdreg $0xFFFFFFFF  }
0x1f: {  	s28 =	simm.s32 $_size_execute0_lowered;
	s3 =	sadd.s32 s3, s5;
	[dreg:$0x0] =	wrdreg $0x0  }
0x20: {  	s5 =	sshll.u32 s28, $0x1;
	[dreg:$0x2] =	wrdreg s3  }
0x21: {  	[dreg:$0x3] =	wrdreg s5  }
0x22: {  	[dreg:$0x4] =	wrdreg $0xC0  }
0x23: {  	_ =	task [dreg:s7], $0x5FFFF  }
0x24: {  	[dreg:$0x1] =	wrdreg $0xFFFFFFFF  }
0x25: {  	[dreg:$0x0] =	wrdreg $0x60  }
0x26: {  	[dreg:$0x2] =	wrdreg s25  }
0x27: {  	[dreg:$0x3] =	wrdreg s2  }
0x28: {  	[dreg:$0x4] =	wrdreg $0x9  }
0x29: {  	_ =	task.clear_ibuf [dreg:s7], $0x5FFFF;
	_ =	strace $0x90000049  }
0x2a: {  	s29 =	simm.s32 $0x9;
	_ =	strace $0x8000004B  }
0x2b: {  	_ =	swait.ge [sflag:s29], $0x1  }
0x2c: {  	[sflag:s29] =	ssyncadd.s32 $0xFFFFFFFF  }
0x2d: {  	_ =	strace $0x9000004B  }
0x2e: {  	_ =	sfence  }
0x2f: {  	s30 =	sld [smem:$0x0];
	_ =	sdelay $0x2  }
0x30: {  	s31 =	sshll.u32 s1, $0xD;
	s1 =	sshrl.u32 s1, $0x2  }
0x31: {  	s3 =	sand.u32 $0x4000, s31;
	s1 =	sadd.s32 s1, s30  }
0x32: {  	s0 =	sor.u32 s3, s0;
	s1 =	sshll.u32 s1, $0x11  }
0x33: {  	s0 =	sor.u32 s1, s0  }
0x34: {  	s0 =	sadd.s32 $0x8F2B, s0  }
0x35: {  	[sflag:s0] =	ssyncadd.remote.s32 $0x1  }
0x36: {  	_ =	sfence.sel $0xFFFF  }
0x37: {  	[dreg:$0x0] =	wrdreg $0xFFFFFFFF;
	(pc) =	sbr.abs _section_cstart, $3  }
0x38: {  	[dreg:$0x1] =	wrdreg $0xFFFFFFFF  }
0x39: {  	_ =	task.clear_ibuf [dreg:s7], $0x2FFFF;
	_ =	strace $0x9FFFFFFF  }
0x3a: {  	(tm) =	ssettm $0x7FFFFFFF  }
0x3b: {  	_ =	shalt  }
tec
execute0_lowered:
.L_overlay_start_1:
0x0: {  	(tag) =	ssettag $0x1  }
0x1: {  	s0 =	srdreg.scid;
	s6 =	rddreg [dreg:$0x0]  }
0x2: {  	s3 =	rddreg [dreg:$0x1];
	s1 =	sshll.u32 s0, $0x4  }
0x3: {  	s5 =	simm.s32 $0x1;
	s0 =	stileid.u32;
	s1 =	sand.u32 $0x10, s1  }
0x4: {  	s31 =	simm.s32 $0x2;
	s16 =	simm.s32 $0x0;
	s1 =	sor.u32 s0, s1  }
0x5: {  	s8 =	simm.s32 $0x8000;
	s18 =	simm.s32 $0x0;
	s2 =	sshll.u32 s1, $0x7  }
0x6: {  	s17 =	simm.s32 $0x0;
	s9 =	simm.s32 $0x0;
	s4 =	ssub.s32 $0x1000, s2  }
0x7: {  	s10 =	simm.s32 $0x0;
	s11 =	simm.s32 $0x0;
	s30 =	sand.u32 $0xF80, s4  }
0x8: {  	s12 =	simm.s32 $0x0;
	s13 =	simm.s32 $0x0;
	p0 =	sne.s32 s30, $0x0  }
.Ltmp0:
0x9: {  	s7 =	sshrl.u32 s4, $0xC;
	s5 =	simm.s32 @!p0 $0x0;
	(pc) =	sbr.rel .LBB1_1-.Ltmp0, $4  }
0xa: {  	s15 =	simm.s32 $0x0;
	s1 =	rddreg [dreg:$0x2];
	s5 =	sadd.s32 s5, s7  }
0xb: {  	_ =	strace $0x8000004A;
	s4 =	simm.s32 $0x1;
	s5 =	smul.u32 $0x96, s5  }
0xc: {  	s6 =	sadd.s32 $0x966C00, s6;
	s14 =	smov.u32 s2;
	[sflag:s4] =	ssyncpa.u1 $0x0  }
0xd: {  	[sflag:s31] =	ssyncpa.u1 $0x0;
	p0 =	por $0x0, $0x0;
	s7 =	sor.u32 $0x1, s5  }
.LBB1_4:
0xe: {  	s23 =	sshra.s32 s23, $0x2;
	s30 =	sshll.u32 s9, $0xC  }
0xf: {  	p1 =	sgt.s32 s10, $0x31;
	s24 =	smov.u32 s10;
	s25 =	sshra.s32 s10, $0x1F  }
0x10: {  	s26 =	sshll.u32 s11, $0x3;
	s28 =	smov.u32 s11;
	s29 =	sshra.s32 s11, $0x1F  }
0x11: {  	s22 =	sadd.s32 s23, s22;
	s24 =	simm.s32 @!p1 $0x31;
	s25 =	sand.u32 s25, s10  }
0x12: {  	s23 =	sand.u32 $0xFFFF8000, s30;
	s27 =	sand.u32 $0xFFFFFC00, s26;
	p1 =	sgt.s32 s9, $0xB0  }
0x13: {  	s31 =	sand.u32 s29, s11;
	s29 =	sshll.u32 s9, $0x7;
	s30 =	sshra.s32 s9, $0x1F  }
0x14: {  	[tilespmem:s21+$0x2040 ss:$0x81] =	vst.msk $0xffff, v4;
	s24 =	ssub.s32 s24, s25;
	s23 =	sadd.s32 s27, s23;
	s27 =	smov.u32 s9  }
0x15: {  	[tilespmem:s21+$0x2850 ss:$0x81] =	vst.msk $0xffff, v3;
	s29 =	sand.u32 $0x380, s29;
	s25 =	sadd.s32 $0xFFFFFFCF, s24;
	s27 =	simm.s32 @!p1 $0xB0  }
0x16: {  	v5 =	vld [tilespmem:s20+$0xFFFFFFD0];
	[tilespmem:s21+$0x3060 ss:$0x81] =	vst.msk $0xffff, v2;
	p1 =	sgt.s32 s11, $0xF80;
	s23 =	sshrl.u32 s23, $0xC;
	s24 =	ssub.s32 $0x32, s24  }
0x17: {  	v58 =	vld [tilespmem:s20+$0xFFFFFFE0];
	[tilespmem:s21+$0x0 ss:$0x81] =	vst.msk $0xffff, v1;
	s28 =	simm.s32 @!p1 $0xF80;
	p1 =	sgt.s32 s25, $0x0;
	s21 =	smulhi.u32 $0xD79436, s23  }
0x18: {  	v59 =	vld [tilespmem:s20+$0xFFFFFFF0];
	s25 =	ssub.s32 s28, s31;
	s28 =	sand.u32 s30, s9;
	s24 =	simm.s32 @p1 $0x0  }
0x19: {  	v60 =	vld [tilespmem:s20+$0x0];
	s27 =	ssub.s32 s27, s28;
	s31 =	sadd.s32 $0xFFFFF080, s25;
	s25 =	ssub.s32 $0x1000, s25  }
0x1a: {  	v61 =	vld [tilespmem:s20+$0x10];
	[tilespmem:s22+$0x3870 ss:$0x81] =	vst.msk $0xffff, v0;
	s21 =	smul.u32 $0x130, s21;
	s28 =	sand.u32 $0x7, s11;
	p1 =	sgt.s32 s31, $0x7F  }
0x1b: {  	v62 =	vld [tilespmem:s20+$0x20];
	[tilespmem:s22+$0x810 ss:$0x81] =	vst.msk $0xffff, v5;
	s30 =	sadd.s32 $0xFFFFFF50, s27;
	s31 =	sand.u32 $0x78, s11;
	s25 =	simm.s32 @p1 $0x0  }
0x1c: {  	v63 =	vld [tilespmem:s20+$0xFFFFFFC0];
	[tilespmem:s22+$0x1020 ss:$0x81] =	vst.msk $0xffff, v58;
	p1 =	sgt.s32 s30, $0x7F;
	s30 =	sand.u32 $0xC00, s26;
	s24 =	smul.u32 s25, s24  }
0x1d: {  	[tilespmem:s22+$0x1830 ss:$0x81] =	vst.msk $0xffff, v59;
	s26 =	ssub.s32 $0x130, s27;
	s20 =	sor.u32 s31, s30;
	s31 =	smul.u32 $0x26000, s10  }
0x1e: {  	[tilespmem:s22+$0x2040 ss:$0x81] =	vst.msk $0xffff, v60;
	s21 =	ssub.s32 s23, s21;
	s26 =	simm.s32 @p1 $0x0;
	s20 =	sor.u32 s29, s20  }
0x1f: {  	[tilespmem:s22+$0x2850 ss:$0x81] =	vst.msk $0xffff, v61;
	s26 =	smul.u32 s26, s24;
	s20 =	sshrl.u32 s20, $0x3;
	s27 =	sadd.s32 s3, s31  }
0x20: {  	[tilespmem:s22+$0x3060 ss:$0x81] =	vst.msk $0xffff, v62;
	s21 =	sshll.u32 s21, $0x9;
	s29 =	sshll.u32 s28, $0x12;
	s20 =	sadd.s32 s20, s27  }
0x21: {  	[tilespmem:s22+$0x0 ss:$0x81] =	vst.msk $0xffff, v63;
	s31 =	sor.u32 $0x400, s29;
	s30 =	sand.u32 $0x3FFFFFFF, s26;
	s20 =	sadd.s32 s21, s20  }
0x22: {  	[hbm4b:s20+s31] =	stream.strided.scatter [tilespmem:s19], [sflag:$0x2], s30, s8, s31, $0x20;
	[tilespmem:$0x10100] =	vst v63  }
.LBB1_5:
0x23: {  	p1 =	slt.u32 s15, $0x2  }
0x24: {  	p2 =	sgt.s32 @!p1 s18, $0x31  }
0x25: {  	s19 =	smov.u32 s18;
	s20 =	sshra.s32 @!p1 s18, $0x1F;
	p2 =	por !p2, p1  }
0x26: {  	s18 =	sand.u32 @!p1 s20, s18;
	s19 =	simm.s32 @p2 $0x31  }
0x27: {  	p3 =	sgt.s32 @!p1 s16, $0xB0;
	s18 =	ssub.s32 @!p1 s19, s18  }
0x28: {  	p4 =	sgt.s32 @!p1 s17, $0xF80;
	s21 =	sshra.s32 @!p1 s17, $0x1F;
	s19 =	sadd.s32 @!p1 $0xFFFFFFCF, s18  }
0x29: {  	s20 =	smov.u32 s16;
	p2 =	sgt.s32 @!p1 s19, $0x0;
	s19 =	sshra.s32 @!p1 s16, $0x1F  }
0x2a: {  	p4 =	por !p4, p1;
	s16 =	sand.u32 @!p1 s19, s16;
	s19 =	smov.u32 s17  }
0x2b: {  	p3 =	por !p3, p1;
	s17 =	sand.u32 @!p1 s21, s17;
	s19 =	simm.s32 @p4 $0xF80  }
0x2c: {  	s20 =	simm.s32 @p3 $0xB0;
	s18 =	ssub.s32 @!p1 $0x32, s18;
	s17 =	ssub.s32 @!p1 s19, s17  }
0x2d: {  	p2 =	por !p2, p1;
	s16 =	ssub.s32 @!p1 s20, s16;
	s20 =	sadd.s32 @!p1 $0xFFFFF080, s17  }
0x2e: {  	s18 =	simm.s32 @!p2 $0x0;
	p3 =	sgt.s32 @!p1 s20, $0x7F  }
0x2f: {  	s19 =	sadd.s32 @!p1 $0xFFFFFF50, s16;
	s17 =	ssub.s32 @!p1 $0x1000, s17;
	p3 =	por !p3, p1  }
0x30: {  	p2 =	sgt.s32 @!p1 s19, $0x7F;
	s19 =	sadd.s32 $0x80, s12;
	s17 =	simm.s32 @!p3 $0x0  }
0x31: {  	p3 =	sgt.s32 s19, $0x12B;
	s17 =	smul.u32 @!p1 s17, s18;
	s18 =	simm.s32 $0x1  }
0x32: {  	s16 =	ssub.s32 @!p1 $0x130, s16;
	p2 =	por !p2, p1;
	s18 =	simm.s32 @!p3 $0x0  }
0x33: {  	s21 =	smov.u32 s14;
	s16 =	simm.s32 @!p2 $0x0;
	s20 =	sadd.s32 s18, s13  }
0x34: {  	s16 =	smul.u32 @!p1 s16, s17;
	s17 =	sadd.s32 $0x1000, s14;
	p2 =	sgt.s32 s20, $0x31  }
0x35: {  	p0 =	por !p0, !p0;
	s22 =	simm.s32 @!p1 $0x2;
	s21 =	smov.u32 @p2 s17  }
0x36: {  	s19 =	simm.s32 @p3 $0x0;
	s20 =	simm.s32 @p2 $0x0;
	p2 =	sgt.s32 s21, $0xFFF  }
0x37: {  	s18 =	smov.u32 s10;
	s21 =	smov.u32 @p2 s2;
	p2 =	sne.s32 s15, s7  }
.Ltmp1:
0x38: {  	s10 =	smov.u32 s13;
	s16 =	sand.u32 @!p1 $0x3FFFFFFF, s16;
	(pc) =	sbr.rel @!p2 .LBB1_6-.Ltmp1, $4  }
0x39: {  	s17 =	smov.u32 s11;
	s11 =	smov.u32 s14;
	_ =	swait.ge @!p1 [sflag:s22], s16  }
0x3a: {  	s23 =	ssub.s32 @!p1 $0x0, s16;
	s16 =	smov.u32 s9;
	s9 =	smov.u32 s12  }
0x3b: {  	s12 =	smov.u32 s19;
	s13 =	smov.u32 s20;
	[sflag:s22] =	ssyncset.done @!p1 $0x0  }
0x3c: {  	s15 =	sadd.s32 $0x1, s15;
	[sflag:s22] =	ssyncadd.s32 @!p1 s23;
	s14 =	smov.u32 s21  }
.LBB1_1:
0x3d: {  	p1 =	sge.u32 s15, s5  }
0x3e: {  	s19 =	sshrl.u32 @!p1 s13, $0x3  }
0x3f: {  	s20 =	sshll.u32 @!p1 s12, $0x3;
	s19 =	smul.u32 @!p1 $0xC00, s19  }
0x40: {  	s21 =	sshll.u32 @!p1 s13, $0x7;
	s20 =	sand.u32 @!p1 $0xFFFFFC00, s20  }
0x41: {  	s19 =	sadd.s32 @!p1 s19, s20;
	s20 =	sand.u32 @!p1 $0x380, s21  }
0x42: {  	s19 =	sor.u32 @!p1 s20, s19  }
0x43: {  	s20 =	sand.u32 @!p1 $0x7F, s12;
	s21 =	smulhi.u32 @!p1 $0xAAAAAAAB, s19  }
0x44: {  	s19 =	sor.u32 @!p1 s20, s19  }
0x45: {  	s20 =	smulhi.u32 @!p1 $0xAAAAAAAB, s19;
	s21 =	sshrl.u32 @!p1 s21, $0x8  }
0x46: {  	s22 =	smulhi.u32 @!p1 $0x4924925, s21;
	_ =	sdelay $0x1  }
0x47: {  	s20 =	sshrl.u32 @!p1 s20, $0x8;
	s22 =	smul.u32 @!p1 $0x38, s22  }
0x48: {  	s31 =	sadd.s32 $0xFFFFFFFF, s15;
	s20 =	smul.u32 @!p1 $0x180, s20  }
0x49: {  	s23 =	sxor.u32 @!p1 $0xFFFFFFFF, s15;
	s21 =	ssub.s32 @!p1 s21, s22;
	s22 =	smul.u32 @!p1 $0xA80, s14  }
0x4a: {  	s23 =	sshll.u32 @!p1 s23, $0xE;
	s19 =	ssub.s32 @!p1 s19, s20;
	s20 =	smul.u32 @!p1 $0x30, s21  }
0x4b: {  	s21 =	sand.u32 @!p1 $0x4000, s23;
	s23 =	sand.u32 @!p1 $0x7, s19;
	s22 =	sadd.s32 @!p1 s6, s22  }
0x4c: {  	s19 =	sshrl.u32 @!p1 s19, $0x3;
	s20 =	sadd.s32 @!p1 s20, s22;
	s22 =	sshll.u32 @!p1 s23, $0x12  }
0x4d: {  	s19 =	sadd.s32 @!p1 s19, s20;
	s20 =	sor.u32 @!p1 $0x80, s22;
	s22 =	simm.s32 @!p1 $0x5400  }
0x4e: {  	[tilespmem:s21], [sflag:$0x1] =	stream.strided.gather @!p1 [hbm4b:s19+s20], $0x4000, s22, s20, $0x38;
	[tilespmem:$0x10100] =	vst v63  }
0x4f: {  	p1 =	sge.u32 s31, s5  }
.Ltmp2:
0x50: {  	_ = 	snop;
	(pc) =	sbr.rel @p1 .LBB1_5-.Ltmp2, $1  }
0x51: {  	_ =	sdelay $0x3  }
0x52: {  	s19 =	simm.s32 $0x1  }
0x53: {  	_ =	swait.ge [sflag:s4], $0x4000;
	s19 =	simm.s32 @!p0 $0x0  }
0x54: {  	[sflag:s4] =	ssyncset.done $0x0;
	s20 =	sshll.u32 s19, $0xE  }
0x55: {  	[sflag:s4] =	ssyncadd.s32 $0xFFFFC000;
	s20 =	sor.u32 $0x40, s20  }
0x56: {  	s19 =	smul.u32 $0x10200, s19;
	v0 =	vld [tilespmem:s20+$0x30]  }
0x57: {  	v1 =	vld [tilespmem:s20+$0xFFFFFFD0]  }
0x58: {  	s19 =	sshrl.u32 s19, $0x2;
	v5 =	vld [tilespmem:s20+$0xFFFFFFE0]  }
0x59: {  	v6 =	vld [tilespmem:s20+$0xFFFFFFF0];
	s22 =	sor.u32 $0x8000, s19  }
0x5a: {  	s31 =	sand.u32 $0x1, s15;
	v4 =	vld [tilespmem:s20+$0x0];
	s21 =	sadd.s32 $0x0, s22  }
0x5b: {  	v3 =	vld [tilespmem:s20+$0x10];
	s19 =	smul.u32 $0x10200, s31;
	[tilespmem:s21+$0x3870 ss:$0x81] =	vst.msk $0xffff, v0  }
0x5c: {  	v2 =	vld [tilespmem:s20+$0x20];
	[tilespmem:s21+$0x810 ss:$0x81] =	vst.msk $0xffff, v1  }
0x5d: {  	s19 =	sshrl.u32 s19, $0x2;
	v1 =	vld [tilespmem:s20+$0xFFFFFFC0];
	[tilespmem:s21+$0x1020 ss:$0x81] =	vst.msk $0xffff, v5;
	s20 =	sadd.s32 $0x80, s20  }
0x5e: {  	s23 =	simm.s32 $0x4;
	s24 =	simm.s32 $0x8;
	s19 =	sor.u32 $0x8000, s19;
	[tilespmem:s21+$0x1830 ss:$0x81] =	vst.msk $0xffff, v6;
	v0 =	vld [tilespmem:s20+$0x30]  }
.LBB1_3:
0x5f: {  	p1 =	sne.s32 s24, $0x1FC;
	v5 =	vld [tilespmem:s20+$0xFFFFFFD0];
	[tilespmem:s21+$0x2040 ss:$0x81] =	vst.msk $0xffff, v4  }
0x60: {  	v6 =	vld [tilespmem:s20+$0xFFFFFFE0];
	[tilespmem:s21+$0x2850 ss:$0x81] =	vst.msk $0xffff, v3  }
0x61: {  	s25 =	sshra.s32 s23, $0x2;
	s23 =	smov.u32 s24;
	v7 =	vld [tilespmem:s20+$0xFFFFFFF0];
	[tilespmem:s21+$0x3060 ss:$0x81] =	vst.msk $0xffff, v2  }
.Ltmp3:
0x62: {  	v4 =	vld [tilespmem:s20+$0x0];
	[tilespmem:s21+$0x0 ss:$0x81] =	vst.msk $0xffff, v1;
	s21 =	sadd.s32 s25, s22;
	(pc) =	sbr.rel @p1 .LBB1_3-.Ltmp3, $4  }
0x63: {  	v3 =	vld [tilespmem:s20+$0x10];
	[tilespmem:s21+$0x3870 ss:$0x81] =	vst.msk $0xffff, v0  }
0x64: {  	[tilespmem:s21+$0x810 ss:$0x81] =	vst.msk $0xffff, v5;
	v2 =	vld [tilespmem:s20+$0x20]  }
0x65: {  	v1 =	vld [tilespmem:s20+$0xFFFFFFC0];
	[tilespmem:s21+$0x1020 ss:$0x81] =	vst.msk $0xffff, v6;
	s20 =	sadd.s32 $0x80, s20  }
0x66: {  	s24 =	sadd.s32 $0x4, s24;
	v0 =	vld [tilespmem:s20+$0x30];
	[tilespmem:s21+$0x1830 ss:$0x81] =	vst.msk $0xffff, v7  }
.Ltmp4:
0x67: {  	_ = 	snop;
	(pc) =	sbr.rel .LBB1_4-.Ltmp4, $1  }
0x68: {  	_ =	sdelay $0x3  }
.LBB1_6:
0x69: {  	_ =	sfence.sel $0x180000  }
0x6a: {  	s2 =	simm.s32 $0x1;
	[bflag:$0x0] =	sbarrier.arrive $0xFFFF  }
0x6b: {  	s31 =	simm.s32 $0x2;
	[sflag:s2] =	ssyncpa.u1 $0x1  }
0x6c: {  	[sflag:s31] =	ssyncpa.u1 $0x1  }
0x6d: {  	p0 =	sne.s32 s0, $0x0;
	_ =	strace $0x9000004A  }
0x6e: {  	s0 =	sadd.s32 @!p0 $0x100000, s1;
	[bflag:$0x2] =	sbarrier.arrive $0xFFFF  }
0x6f: {  	[sflag:s0] =	ssyncadd.tile.s32 @!p0 $0x1;
	_ =	shalt  }
.Lfunc_end1:
_tile_overlayer_lowered:
.L_overlay_start_2:
0x70: {  	(tag) =	ssettag $0x2  }
0x71: {  	s0 =	rddreg [dreg:$0x0];
	s2 =	stileid.u32  }
0x72: {  	s1 =	rddreg [dreg:$0x1];
	p0 =	sne.s32 s2, $0x0  }
0x73: {  	s3 =	rddreg [dreg:$0x2];
	[bflag:$0x3] =	sbarrier.arrive $0xFFFF;
	s2 =	simm.s32 @!p0 $0x1C01  }
0x74: {  	[timem:s3], [sflag:s2] =	dma.local @!p0 [hbm:s0], s1  }
0x75: {  	s0 =	simm.s32 @!p0 $0x1  }
0x76: {  	_ =	swait.ge @!p0 [sflag:s0], s1  }
0x77: {  	s1 =	ssub.s32 @!p0 $0x0, s1;
	[sflag:s0] =	ssyncset.done @!p0 $0x0  }
0x78: {  	[sflag:s0] =	ssyncadd.s32 @!p0 s1  }
0x79: {  	[bflag:$0x3] =	sbarrier.arrive $0xFFFF  }
0x7a: {  	_ =	shalt  }

</sc_bundles>
